<compile_context>
chip_gen: v7x
topology: tpu7x:2x2x1
jax: 0.10.2.dev20260603
libtpu: 0.0.44.dev20260713+nightly
codegen_flags: <defaults>
</compile_context>

<pallas_src>
import functools

import jax
import jax.numpy as jnp
from jax import lax
from jax.experimental import pallas as pl
from jax.experimental.pallas import tpu as pltpu
from jax.experimental.pallas import tpu_sc as plsc

B = 16
N = 8192
G = 512
M = 32
GC = 128
NCHUNK = G // GC

D_PAD = 16
ROWS_TOTAL = B * G * M
NW = 32
ROWS_PER_W = ROWS_TOTAL // NW
CH = 2048


def _fps_body(x_ref, y_ref, z_ref, cx_ref, cy_ref, cz_ref):
    x = x_ref[:, 0, :]
    y = y_ref[:, 0, :]
    z = z_ref[:, 0, :]
    lane = lax.broadcasted_iota(jnp.int32, (B, N), 1)
    col = lax.broadcasted_iota(jnp.int32, (B, G), 1)

    def body(i, st):
        distance, farthest, cxs, cys, czs = st
        sel = lane == farthest[:, None]
        cx = jnp.sum(jnp.where(sel, x, 0.0), axis=1)
        cy = jnp.sum(jnp.where(sel, y, 0.0), axis=1)
        cz = jnp.sum(jnp.where(sel, z, 0.0), axis=1)
        cxs = jnp.where(col == i, cx[:, None], cxs)
        cys = jnp.where(col == i, cy[:, None], cys)
        czs = jnp.where(col == i, cz[:, None], czs)
        dx = x - cx[:, None]
        dy = y - cy[:, None]
        dz = z - cz[:, None]
        dist = (dx * dx + dy * dy) + dz * dz
        distance = jnp.minimum(distance, dist)
        mv = jnp.max(distance, axis=1)
        farthest = jnp.min(
            jnp.where(distance == mv[:, None], lane, jnp.int32(N)), axis=1)
        return (distance, farthest, cxs, cys, czs)

    init = (
        jnp.full((B, N), 1e10, dtype=jnp.float32),
        jnp.zeros((B,), dtype=jnp.int32),
        jnp.zeros((B, G), dtype=jnp.float32),
        jnp.zeros((B, G), dtype=jnp.float32),
        jnp.zeros((B, G), dtype=jnp.float32),
    )
    _, _, cxs, cys, czs = lax.fori_loop(0, G, body, init)
    cx_ref[...] = cxs
    cy_ref[...] = cys
    cz_ref[...] = czs


def _fps_call(x, y, z):
    return pl.pallas_call(
        _fps_body,
        out_shape=[jax.ShapeDtypeStruct((B, G), jnp.float32)] * 3,
    )(x, y, z)


def _knn_body(x_ref, y_ref, z_ref, cx_ref, cy_ref, cz_ref, pn_ref, cn_ref,
              idx_ref):
    b = pl.program_id(0)
    px = x_ref[0]
    py = y_ref[0]
    pz = z_ref[0]
    cx = cx_ref[0, 0]
    cy = cy_ref[0, 0]
    cz = cz_ref[0, 0]
    pn = pn_ref[0]
    cn = cn_ref[0, 0]

    def bf(v):
        return v.astype(jnp.bfloat16).astype(jnp.float32)

    dot = (bf(cx) * bf(px) + bf(cy) * bf(py)) + bf(cz) * bf(pz)
    dist = ((-2.0) * dot + cn) + pn

    lane = lax.broadcasted_iota(jnp.int32, (GC, N), 1)
    kcol = lax.broadcasted_iota(jnp.int32, (GC, M), 1)
    acc = jnp.zeros((GC, M), dtype=jnp.int32)
    for k in range(M):
        v = jnp.min(dist, axis=1)
        j = jnp.min(jnp.where(dist == v[:, None], lane, jnp.int32(N)),
                    axis=1)
        acc = jnp.where(kcol == k, j[:, None], acc)
        dist = jnp.where(lane == j[:, None], jnp.inf, dist)
    idx_ref[0, 0] = acc + b * N


def _knn_call(x, y, z, cxr, cyr, czr, pn, cnr):
    return pl.pallas_call(
        _knn_body,
        grid=(B, NCHUNK),
        in_specs=[
            pl.BlockSpec((1, 1, N), lambda b, c: (b, 0, 0)),
            pl.BlockSpec((1, 1, N), lambda b, c: (b, 0, 0)),
            pl.BlockSpec((1, 1, N), lambda b, c: (b, 0, 0)),
            pl.BlockSpec((1, 1, GC, 1), lambda b, c: (b, c, 0, 0)),
            pl.BlockSpec((1, 1, GC, 1), lambda b, c: (b, c, 0, 0)),
            pl.BlockSpec((1, 1, GC, 1), lambda b, c: (b, c, 0, 0)),
            pl.BlockSpec((1, 1, N), lambda b, c: (b, 0, 0)),
            pl.BlockSpec((1, 1, GC, 1), lambda b, c: (b, c, 0, 0)),
        ],
        out_specs=pl.BlockSpec((1, 1, GC, M), lambda b, c: (b, c, 0, 0)),
        out_shape=jax.ShapeDtypeStruct((B, NCHUNK, GC, M), jnp.int32),
    )(x, y, z, cxr, cyr, czr, pn, cnr)


def _sc_gather_kernel(table, ctable, idx, cidx, out,
                      idx_v, cidx_v, rows_v, crows_v, sem1, sem2):
    wid = lax.axis_index("s") * 2 + lax.axis_index("c")
    for c in range(ROWS_PER_W // CH):
        base = wid * ROWS_PER_W + c * CH
        pltpu.sync_copy(idx.at[pl.ds(base, CH)], idx_v)
        pltpu.sync_copy(cidx.at[pl.ds(base, CH)], cidx_v)
        cp1 = pltpu.async_copy(table.at[idx_v], rows_v, sem1)
        cp2 = pltpu.async_copy(ctable.at[cidx_v], crows_v, sem2)
        cp1.wait()
        cp2.wait()

        def sub_body(i, _):
            for u in range(4):
                r = i * 4 + u
                rows_v[r] = rows_v[r] - crows_v[r]
            return 0

        lax.fori_loop(0, CH // 4, sub_body, 0)
        pltpu.sync_copy(rows_v, out.at[pl.ds(base, CH)])


@functools.partial(
    pl.kernel,
    mesh=plsc.VectorSubcoreMesh(core_axis_name="c", subcore_axis_name="s"),
    compiler_params=pltpu.CompilerParams(use_tc_tiling_on_sc=False),
    out_type=jax.ShapeDtypeStruct((ROWS_TOTAL, D_PAD), jnp.float32),
    scratch_types=[
        pltpu.VMEM((CH,), jnp.int32),
        pltpu.VMEM((CH,), jnp.int32),
        pltpu.VMEM((CH, D_PAD), jnp.float32),
        pltpu.VMEM((CH, D_PAD), jnp.float32),
        pltpu.SemaphoreType.DMA,
        pltpu.SemaphoreType.DMA,
    ],
)
def _sc_gather(table, ctable, idx, cidx, out,
               idx_v, cidx_v, rows_v, crows_v, sem1, sem2):
    _sc_gather_kernel(table, ctable, idx, cidx, out,
                      idx_v, cidx_v, rows_v, crows_v, sem1, sem2)


def kernel(xyz):
    x = xyz[:, :, 0].reshape(B, 1, N)
    y = xyz[:, :, 1].reshape(B, 1, N)
    z = xyz[:, :, 2].reshape(B, 1, N)

    cx, cy, cz = _fps_call(x, y, z)
    center = jnp.stack([cx, cy, cz], axis=-1)

    cxr = cx.reshape(B, NCHUNK, GC, 1)
    cyr = cy.reshape(B, NCHUNK, GC, 1)
    czr = cz.reshape(B, NCHUNK, GC, 1)
    pn = jnp.sum(xyz ** 2, axis=-1).reshape(B, 1, N)
    cnr = jnp.sum(center ** 2, axis=-1).reshape(B, NCHUNK, GC, 1)
    flat_idx = _knn_call(x, y, z, cxr, cyr, czr, pn, cnr).reshape(-1)

    table = jnp.pad(xyz.reshape(B * N, 3), ((0, 0), (0, D_PAD - 3)))
    ctab = jnp.pad(center.reshape(B * G, 3), ((0, 0), (0, D_PAD - 3)))
    cidx = jnp.arange(ROWS_TOTAL, dtype=jnp.int32) // M

    nb = _sc_gather(table, ctab, flat_idx, cidx)
    neighborhood = nb.reshape(B, G, M, D_PAD)[..., :3]
    return (neighborhood, center)

# --- scband reference (transcript-rebuilt; emitter-appended) ---
"""Pipeline reference for scband-group-44547400794275 (READ-ONLY COPY).

The authoritative reference and input builder live on the scoring server;
editing this copy changes nothing except your own understanding.
"""

import jax, jax.numpy as jnp
import numpy as np

NUM_GROUP = 512
GROUP_SIZE = 32


def _fps_idx(xyz, npoint):
    B, N, C = xyz.shape
    batch_idx = jnp.arange(B)

    def body(i, state):
        idx, distance, farthest = state
        idx = idx.at[:, i].set(farthest)
        centroid = xyz[batch_idx, farthest, :][:, None, :]
        dist = jnp.sum((xyz - centroid) ** 2, axis=-1)
        distance = jnp.minimum(distance, dist)
        farthest = jnp.argmax(distance, axis=-1).astype(jnp.int32)
        return (idx, distance, farthest)

    idx0 = jnp.zeros((B, npoint), dtype=jnp.int32)
    dist0 = jnp.full((B, N), 1e10, dtype=xyz.dtype)
    far0 = jnp.zeros((B,), dtype=jnp.int32)  # deterministic start (torch uses randint)
    idx, _, _ = jax.lax.fori_loop(0, npoint, body, (idx0, dist0, far0))
    return idx


def _square_distance(src, dst):
    dist = -2.0 * jnp.matmul(src, jnp.transpose(dst, (0, 2, 1)))
    dist = dist + jnp.sum(src ** 2, axis=-1)[:, :, None]
    dist = dist + jnp.sum(dst ** 2, axis=-1)[:, None, :]
    return dist


def _knn_idx(nsample, xyz, new_xyz):
    sqrdists = _square_distance(new_xyz, xyz)
    _, group_idx = jax.lax.top_k(-sqrdists, nsample)
    return group_idx


def setup_inputs(seed: int = 0) -> dict:
    key = jax.random.key(seed)
    xyz = jax.random.normal(key, (16, 8192, 3), dtype=jnp.float32)
    return {"xyz": xyz}


def reference(xyz):
    B, N, _ = xyz.shape
    fps_idx = _fps_idx(xyz, NUM_GROUP)
    center = jnp.take_along_axis(xyz, fps_idx[:, :, None], axis=1)  # B G 3
    idx = _knn_idx(GROUP_SIZE, xyz, center)  # B G M
    idx_base = (jnp.arange(B) * N)[:, None, None]
    flat_idx = (idx + idx_base).reshape(-1)
    neighborhood = xyz.reshape(B * N, 3)[flat_idx, :]
    neighborhood = neighborhood.reshape(B, NUM_GROUP, GROUP_SIZE, 3)
    neighborhood = neighborhood - center[:, :, None, :]
    return (neighborhood, center)

if __name__ == "__main__":
    import jax
    _d = setup_inputs()
    print(jax.jit(kernel)(*tuple(_d.values())))

</pallas_src>

<mosaic_0001>
#map = affine_map<(d0, d1) -> (0, 0)>
#map1 = affine_map<(d0, d1) -> (0)>
module attributes {stable_mosaic.version = 14 : i64} {
  func.func @_sc_gather(%arg0: i32, %arg1: i32, %arg2: memref<131072x16xf32, #tpu.memory_space<hbm>>, %arg3: memref<8192x16xf32, #tpu.memory_space<hbm>>, %arg4: memref<262144xi32, #tpu.memory_space<hbm>>, %arg5: memref<262144xi32, #tpu.memory_space<hbm>>, %arg6: memref<262144x16xf32, #tpu.memory_space<hbm>>, %arg7: memref<2048xi32, #tpu.memory_space<vmem>>, %arg8: memref<2048xi32, #tpu.memory_space<vmem>>, %arg9: memref<2048x16xf32, #tpu.memory_space<vmem>>, %arg10: memref<2048x16xf32, #tpu.memory_space<vmem>>, %arg11: memref<!tpu.dma_semaphore, #tpu.memory_space<semaphore_mem>>, %arg12: memref<!tpu.dma_semaphore, #tpu.memory_space<semaphore_mem>>) attributes {dimension_semantics = [#tpu.dimension_semantics<core_parallel>, #tpu.dimension_semantics<subcore_parallel>], iteration_bounds = array<i64: 2, 16>, scalar_prefetch = 0 : i64, scratch_operands = 6 : i64, tpu.core_type = #tpu.core_type<sc_vector_subcore>, window_params = [{transform_indices = #map}, {transform_indices = #map}, {transform_indices = #map1}, {transform_indices = #map1}, {transform_indices = #map}]} {
    %mul3A = arith.constant 2 : i32
    %mul3A_0 = arith.muli %arg1, %mul3A : i32
    %add3A = arith.addi %mul3A_0, %arg0 : i32
    %mul3A_1 = arith.constant 8192 : i32
    %mul3A_2 = arith.muli %add3A, %mul3A_1 : i32
    %add3A_3 = arith.constant 0 : i32
    %add3A_4 = arith.addi %mul3A_2, %add3A_3 : i32
    "tpu.region"() ({
      %run_scoped3A = tpu.sem_alloc : memref<!tpu.dma_semaphore, #tpu.memory_space<semaphore_mem>>
      %dma_start3A_90 = tpu.memref_slice %arg4[%add3A_4] : memref<262144xi32, #tpu.memory_space<hbm>> -> memref<2048xi32, #tpu.memory_space<hbm>>
      %dma_start3A_91 = tpu.memref_slice %arg4[%add3A_4] : memref<262144xi32, #tpu.memory_space<hbm>> -> memref<2048xi32, #tpu.memory_space<hbm>>
      tpu.enqueue_dma source(%dma_start3A_91 : memref<2048xi32, #tpu.memory_space<hbm>>) target(%arg7 : memref<2048xi32, #tpu.memory_space<vmem>>) target_semaphore(%run_scoped3A : memref<!tpu.dma_semaphore, #tpu.memory_space<semaphore_mem>>)
      %dma_wait3A_92 = tpu.memref_slice %arg4[%add3A_4] : memref<262144xi32, #tpu.memory_space<hbm>> -> memref<2048xi32, #tpu.memory_space<hbm>>
      %dma_wait3A_93 = tpu.memref_slice %arg4[%add3A_4] : memref<262144xi32, #tpu.memory_space<hbm>> -> memref<2048xi32, #tpu.memory_space<hbm>>
      tpu.wait_dma2 semaphore(%run_scoped3A : memref<!tpu.dma_semaphore, #tpu.memory_space<semaphore_mem>>) src(%dma_wait3A_93 : memref<2048xi32, #tpu.memory_space<hbm>>) dst(%arg7 : memref<2048xi32, #tpu.memory_space<vmem>>)
      tpu.yield
    }) : () -> ()
    "tpu.region"() ({
      %run_scoped3A = tpu.sem_alloc : memref<!tpu.dma_semaphore, #tpu.memory_space<semaphore_mem>>
      %dma_start3A_90 = tpu.memref_slice %arg5[%add3A_4] : memref<262144xi32, #tpu.memory_space<hbm>> -> memref<2048xi32, #tpu.memory_space<hbm>>
      %dma_start3A_91 = tpu.memref_slice %arg5[%add3A_4] : memref<262144xi32, #tpu.memory_space<hbm>> -> memref<2048xi32, #tpu.memory_space<hbm>>
      tpu.enqueue_dma source(%dma_start3A_91 : memref<2048xi32, #tpu.memory_space<hbm>>) target(%arg8 : memref<2048xi32, #tpu.memory_space<vmem>>) target_semaphore(%run_scoped3A : memref<!tpu.dma_semaphore, #tpu.memory_space<semaphore_mem>>)
      %dma_wait3A_92 = tpu.memref_slice %arg5[%add3A_4] : memref<262144xi32, #tpu.memory_space<hbm>> -> memref<2048xi32, #tpu.memory_space<hbm>>
      %dma_wait3A_93 = tpu.memref_slice %arg5[%add3A_4] : memref<262144xi32, #tpu.memory_space<hbm>> -> memref<2048xi32, #tpu.memory_space<hbm>>
      tpu.wait_dma2 semaphore(%run_scoped3A : memref<!tpu.dma_semaphore, #tpu.memory_space<semaphore_mem>>) src(%dma_wait3A_93 : memref<2048xi32, #tpu.memory_space<hbm>>) dst(%arg8 : memref<2048xi32, #tpu.memory_space<vmem>>)
      tpu.yield
    }) : () -> ()
    %dma_start3A = arith.constant 0 : i32
    %dma_start3A_5 = arith.constant 0 : i32
    %dma_start3A_6 = tpu.memref_slice %arg2[%dma_start3A, %dma_start3A_5] : memref<131072x16xf32, #tpu.memory_space<hbm>> -> memref<131072x16xf32, #tpu.memory_space<hbm>>
    tpu.enqueue_indirect_dma source(%dma_start3A_6 : memref<131072x16xf32, #tpu.memory_space<hbm>>) target(%arg9 : memref<2048x16xf32, #tpu.memory_space<vmem>>) offsets(%arg7 : memref<2048xi32, #tpu.memory_space<vmem>>) semaphore(%arg11 : memref<!tpu.dma_semaphore, #tpu.memory_space<semaphore_mem>>)
    %dma_start3A_7 = arith.constant 0 : i32
    %dma_start3A_8 = arith.constant 0 : i32
    %dma_start3A_9 = tpu.memref_slice %arg3[%dma_start3A_7, %dma_start3A_8] : memref<8192x16xf32, #tpu.memory_space<hbm>> -> memref<8192x16xf32, #tpu.memory_space<hbm>>
    tpu.enqueue_indirect_dma source(%dma_start3A_9 : memref<8192x16xf32, #tpu.memory_space<hbm>>) target(%arg10 : memref<2048x16xf32, #tpu.memory_space<vmem>>) offsets(%arg8 : memref<2048xi32, #tpu.memory_space<vmem>>) semaphore(%arg12 : memref<!tpu.dma_semaphore, #tpu.memory_space<semaphore_mem>>)
    %dma_wait3A = arith.constant 0 : i32
    %dma_wait3A_10 = arith.constant 0 : i32
    %dma_wait3A_11 = tpu.memref_slice %arg2[%dma_wait3A, %dma_wait3A_10] : memref<131072x16xf32, #tpu.memory_space<hbm>> -> memref<131072x16xf32, #tpu.memory_space<hbm>>
    tpu.wait_indirect_dma semaphore(%arg11 : memref<!tpu.dma_semaphore, #tpu.memory_space<semaphore_mem>>) src(%dma_wait3A_11 : memref<131072x16xf32, #tpu.memory_space<hbm>>) dst(%arg9 : memref<2048x16xf32, #tpu.memory_space<vmem>>)
    %dma_wait3A_12 = arith.constant 0 : i32
    %dma_wait3A_13 = arith.constant 0 : i32
    %dma_wait3A_14 = tpu.memref_slice %arg3[%dma_wait3A_12, %dma_wait3A_13] : memref<8192x16xf32, #tpu.memory_space<hbm>> -> memref<8192x16xf32, #tpu.memory_space<hbm>>
    tpu.wait_indirect_dma semaphore(%arg12 : memref<!tpu.dma_semaphore, #tpu.memory_space<semaphore_mem>>) src(%dma_wait3A_14 : memref<8192x16xf32, #tpu.memory_space<hbm>>) dst(%arg10 : memref<2048x16xf32, #tpu.memory_space<vmem>>)
    %scan3A = arith.constant 0 : i32
    %scan3A_15 = arith.constant 0 : i32
    %scan3A_16 = arith.constant 512 : i32
    %scan3A_17 = arith.addi %scan3A_15, %scan3A_16 : i32
    %scan3A_18 = arith.constant 1 : i32
    %scan3A_19 = scf.for %scan3A_90 = %scan3A_15 to %scan3A_17 step %scan3A_18 iter_args(%scan3A_91 = %scan3A) -> (i32)  : i32 {
      %mul3A_92 = arith.constant 4 : i32
      %mul3A_93 = arith.muli %scan3A_90, %mul3A_92 : i32
      %add3A_94 = arith.constant 0 : i32
      %add3A_95 = arith.addi %mul3A_93, %add3A_94 : i32
      %get3A = arith.index_cast %add3A_95 : i32 to index
      %get3A_96 = arith.constant 0 : index
      %get3A_97 = tpu.vector_load %arg9[%get3A, %get3A_96] {strides = array<i32>} : memref<2048x16xf32, #tpu.memory_space<vmem>>, vector<1x16xf32>,
      %get3A_98 = vector.shape_cast %get3A_97 : vector<1x16xf32> to vector<16xf32>
      %get3A_99 = arith.index_cast %add3A_95 : i32 to index
      %get3A_100 = arith.constant 0 : index
      %get3A_101 = tpu.vector_load %arg10[%get3A_99, %get3A_100] {strides = array<i32>} : memref<2048x16xf32, #tpu.memory_space<vmem>>, vector<1x16xf32>,
      %get3A_102 = vector.shape_cast %get3A_101 : vector<1x16xf32> to vector<16xf32>
      %sub3A = arith.subf %get3A_98, %get3A_102 : vector<16xf32>
      %swap3A = arith.index_cast %add3A_95 : i32 to index
      %swap3A_103 = arith.constant 0 : index
      %swap3A_104 = tpu.vector_load %arg9[%swap3A, %swap3A_103] {strides = array<i32>} : memref<2048x16xf32, #tpu.memory_space<vmem>>, vector<1x16xf32>,
      %swap3A_105 = vector.shape_cast %swap3A_104 : vector<1x16xf32> to vector<16xf32>
      %swap3A_106 = vector.shape_cast %sub3A : vector<16xf32> to vector<1x16xf32>
      tpu.vector_store %arg9[%swap3A, %swap3A_103], %swap3A_106 {strides = array<i32>} : memref<2048x16xf32, #tpu.memory_space<vmem>>, vector<1x16xf32>,
      %mul3A_107 = arith.constant 4 : i32
      %mul3A_108 = arith.muli %scan3A_90, %mul3A_107 : i32
      %add3A_109 = arith.constant 1 : i32
      %add3A_110 = arith.addi %mul3A_108, %add3A_109 : i32
      %get3A_111 = arith.index_cast %add3A_110 : i32 to index
      %get3A_112 = arith.constant 0 : index
      %get3A_113 = tpu.vector_load %arg9[%get3A_111, %get3A_112] {strides = array<i32>} : memref<2048x16xf32, #tpu.memory_space<vmem>>, vector<1x16xf32>,
      %get3A_114 = vector.shape_cast %get3A_113 : vector<1x16xf32> to vector<16xf32>
      %get3A_115 = arith.index_cast %add3A_110 : i32 to index
      %get3A_116 = arith.constant 0 : index
      %get3A_117 = tpu.vector_load %arg10[%get3A_115, %get3A_116] {strides = array<i32>} : memref<2048x16xf32, #tpu.memory_space<vmem>>, vector<1x16xf32>,
      %get3A_118 = vector.shape_cast %get3A_117 : vector<1x16xf32> to vector<16xf32>
      %sub3A_119 = arith.subf %get3A_114, %get3A_118 : vector<16xf32>
      %swap3A_120 = arith.index_cast %add3A_110 : i32 to index
      %swap3A_121 = arith.constant 0 : index
      %swap3A_122 = tpu.vector_load %arg9[%swap3A_120, %swap3A_121] {strides = array<i32>} : memref<2048x16xf32, #tpu.memory_space<vmem>>, vector<1x16xf32>,
      %swap3A_123 = vector.shape_cast %swap3A_122 : vector<1x16xf32> to vector<16xf32>
      %swap3A_124 = vector.shape_cast %sub3A_119 : vector<16xf32> to vector<1x16xf32>
      tpu.vector_store %arg9[%swap3A_120, %swap3A_121], %swap3A_124 {strides = array<i32>} : memref<2048x16xf32, #tpu.memory_space<vmem>>, vector<1x16xf32>,
      %mul3A_125 = arith.constant 4 : i32
      %mul3A_126 = arith.muli %scan3A_90, %mul3A_125 : i32
      %add3A_127 = arith.constant 2 : i32
      %add3A_128 = arith.addi %mul3A_126, %add3A_127 : i32
      %get3A_129 = arith.index_cast %add3A_128 : i32 to index
      %get3A_130 = arith.constant 0 : index
      %get3A_131 = tpu.vector_load %arg9[%get3A_129, %get3A_130] {strides = array<i32>} : memref<2048x16xf32, #tpu.memory_space<vmem>>, vector<1x16xf32>,
      %get3A_132 = vector.shape_cast %get3A_131 : vector<1x16xf32> to vector<16xf32>
      %get3A_133 = arith.index_cast %add3A_128 : i32 to index
      %get3A_134 = arith.constant 0 : index
      %get3A_135 = tpu.vector_load %arg10[%get3A_133, %get3A_134] {strides = array<i32>} : memref<2048x16xf32, #tpu.memory_space<vmem>>, vector<1x16xf32>,
      %get3A_136 = vector.shape_cast %get3A_135 : vector<1x16xf32> to vector<16xf32>
      %sub3A_137 = arith.subf %get3A_132, %get3A_136 : vector<16xf32>
      %swap3A_138 = arith.index_cast %add3A_128 : i32 to index
      %swap3A_139 = arith.constant 0 : index
      %swap3A_140 = tpu.vector_load %arg9[%swap3A_138, %swap3A_139] {strides = array<i32>} : memref<2048x16xf32, #tpu.memory_space<vmem>>, vector<1x16xf32>,
      %swap3A_141 = vector.shape_cast %swap3A_140 : vector<1x16xf32> to vector<16xf32>
      %swap3A_142 = vector.shape_cast %sub3A_137 : vector<16xf32> to vector<1x16xf32>
      tpu.vector_store %arg9[%swap3A_138, %swap3A_139], %swap3A_142 {strides = array<i32>} : memref<2048x16xf32, #tpu.memory_space<vmem>>, vector<1x16xf32>,
      %mul3A_143 = arith.constant 4 : i32
      %mul3A_144 = arith.muli %scan3A_90, %mul3A_143 : i32
      %add3A_145 = arith.constant 3 : i32
      %add3A_146 = arith.addi %mul3A_144, %add3A_145 : i32
      %get3A_147 = arith.index_cast %add3A_146 : i32 to index
      %get3A_148 = arith.constant 0 : index
      %get3A_149 = tpu.vector_load %arg9[%get3A_147, %get3A_148] {strides = array<i32>} : memref<2048x16xf32, #tpu.memory_space<vmem>>, vector<1x16xf32>,
      %get3A_150 = vector.shape_cast %get3A_149 : vector<1x16xf32> to vector<16xf32>
      %get3A_151 = arith.index_cast %add3A_146 : i32 to index
      %get3A_152 = arith.constant 0 : index
      %get3A_153 = tpu.vector_load %arg10[%get3A_151, %get3A_152] {strides = array<i32>} : memref<2048x16xf32, #tpu.memory_space<vmem>>, vector<1x16xf32>,
      %get3A_154 = vector.shape_cast %get3A_153 : vector<1x16xf32> to vector<16xf32>
      %sub3A_155 = arith.subf %get3A_150, %get3A_154 : vector<16xf32>
      %swap3A_156 = arith.index_cast %add3A_146 : i32 to index
      %swap3A_157 = arith.constant 0 : index
      %swap3A_158 = tpu.vector_load %arg9[%swap3A_156, %swap3A_157] {strides = array<i32>} : memref<2048x16xf32, #tpu.memory_space<vmem>>, vector<1x16xf32>,
      %swap3A_159 = vector.shape_cast %swap3A_158 : vector<1x16xf32> to vector<16xf32>
      %swap3A_160 = vector.shape_cast %sub3A_155 : vector<16xf32> to vector<1x16xf32>
      tpu.vector_store %arg9[%swap3A_156, %swap3A_157], %swap3A_160 {strides = array<i32>} : memref<2048x16xf32, #tpu.memory_space<vmem>>, vector<1x16xf32>,
      %scan3A_161 = arith.constant 0 : i32
      scf.yield %scan3A_161 : i32
    }
    %scan3A_20 = arith.constant 512 : i32
    "tpu.region"() ({
      %run_scoped3A = tpu.sem_alloc : memref<!tpu.dma_semaphore, #tpu.memory_space<semaphore_mem>>
      %dma_start3A_90 = arith.constant 0 : i32
      %dma_start3A_91 = tpu.memref_slice %arg6[%add3A_4, %dma_start3A_90] : memref<262144x16xf32, #tpu.memory_space<hbm>> -> memref<2048x16xf32, #tpu.memory_space<hbm>>
      %dma_start3A_92 = arith.constant 0 : i32
      %dma_start3A_93 = tpu.memref_slice %arg6[%add3A_4, %dma_start3A_92] : memref<262144x16xf32, #tpu.memory_space<hbm>> -> memref<2048x16xf32, #tpu.memory_space<hbm>>
      tpu.enqueue_dma source(%arg9 : memref<2048x16xf32, #tpu.memory_space<vmem>>) target(%dma_start3A_93 : memref<2048x16xf32, #tpu.memory_space<hbm>>) target_semaphore(%run_scoped3A : memref<!tpu.dma_semaphore, #tpu.memory_space<semaphore_mem>>)
      %dma_wait3A_94 = arith.constant 0 : i32
      %dma_wait3A_95 = tpu.memref_slice %arg6[%add3A_4, %dma_wait3A_94] : memref<262144x16xf32, #tpu.memory_space<hbm>> -> memref<2048x16xf32, #tpu.memory_space<hbm>>
      %dma_wait3A_96 = arith.constant 0 : i32
      %dma_wait3A_97 = tpu.memref_slice %arg6[%add3A_4, %dma_wait3A_96] : memref<262144x16xf32, #tpu.memory_space<hbm>> -> memref<2048x16xf32, #tpu.memory_space<hbm>>
      tpu.wait_dma2 semaphore(%run_scoped3A : memref<!tpu.dma_semaphore, #tpu.memory_space<semaphore_mem>>) src(%arg9 : memref<2048x16xf32, #tpu.memory_space<vmem>>) dst(%dma_wait3A_97 : memref<2048x16xf32, #tpu.memory_space<hbm>>)
      tpu.yield
    }) : () -> ()
    %mul3A_21 = arith.constant 8192 : i32
    %mul3A_22 = arith.muli %add3A, %mul3A_21 : i32
    %add3A_23 = arith.constant 2048 : i32
    %add3A_24 = arith.addi %mul3A_22, %add3A_23 : i32
    "tpu.region"() ({
      %run_scoped3A = tpu.sem_alloc : memref<!tpu.dma_semaphore, #tpu.memory_space<semaphore_mem>>
      %dma_start3A_90 = tpu.memref_slice %arg4[%add3A_24] : memref<262144xi32, #tpu.memory_space<hbm>> -> memref<2048xi32, #tpu.memory_space<hbm>>
      %dma_start3A_91 = tpu.memref_slice %arg4[%add3A_24] : memref<262144xi32, #tpu.memory_space<hbm>> -> memref<2048xi32, #tpu.memory_space<hbm>>
      tpu.enqueue_dma source(%dma_start3A_91 : memref<2048xi32, #tpu.memory_space<hbm>>) target(%arg7 : memref<2048xi32, #tpu.memory_space<vmem>>) target_semaphore(%run_scoped3A : memref<!tpu.dma_semaphore, #tpu.memory_space<semaphore_mem>>)
      %dma_wait3A_92 = tpu.memref_slice %arg4[%add3A_24] : memref<262144xi32, #tpu.memory_space<hbm>> -> memref<2048xi32, #tpu.memory_space<hbm>>
      %dma_wait3A_93 = tpu.memref_slice %arg4[%add3A_24] : memref<262144xi32, #tpu.memory_space<hbm>> -> memref<2048xi32, #tpu.memory_space<hbm>>
      tpu.wait_dma2 semaphore(%run_scoped3A : memref<!tpu.dma_semaphore, #tpu.memory_space<semaphore_mem>>) src(%dma_wait3A_93 : memref<2048xi32, #tpu.memory_space<hbm>>) dst(%arg7 : memref<2048xi32, #tpu.memory_space<vmem>>)
      tpu.yield
    }) : () -> ()
    "tpu.region"() ({
      %run_scoped3A = tpu.sem_alloc : memref<!tpu.dma_semaphore, #tpu.memory_space<semaphore_mem>>
      %dma_start3A_90 = tpu.memref_slice %arg5[%add3A_24] : memref<262144xi32, #tpu.memory_space<hbm>> -> memref<2048xi32, #tpu.memory_space<hbm>>
      %dma_start3A_91 = tpu.memref_slice %arg5[%add3A_24] : memref<262144xi32, #tpu.memory_space<hbm>> -> memref<2048xi32, #tpu.memory_space<hbm>>
      tpu.enqueue_dma source(%dma_start3A_91 : memref<2048xi32, #tpu.memory_space<hbm>>) target(%arg8 : memref<2048xi32, #tpu.memory_space<vmem>>) target_semaphore(%run_scoped3A : memref<!tpu.dma_semaphore, #tpu.memory_space<semaphore_mem>>)
      %dma_wait3A_92 = tpu.memref_slice %arg5[%add3A_24] : memref<262144xi32, #tpu.memory_space<hbm>> -> memref<2048xi32, #tpu.memory_space<hbm>>
      %dma_wait3A_93 = tpu.memref_slice %arg5[%add3A_24] : memref<262144xi32, #tpu.memory_space<hbm>> -> memref<2048xi32, #tpu.memory_space<hbm>>
      tpu.wait_dma2 semaphore(%run_scoped3A : memref<!tpu.dma_semaphore, #tpu.memory_space<semaphore_mem>>) src(%dma_wait3A_93 : memref<2048xi32, #tpu.memory_space<hbm>>) dst(%arg8 : memref<2048xi32, #tpu.memory_space<vmem>>)
      tpu.yield
    }) : () -> ()
    %dma_start3A_25 = arith.constant 0 : i32
    %dma_start3A_26 = arith.constant 0 : i32
    %dma_start3A_27 = tpu.memref_slice %arg2[%dma_start3A_25, %dma_start3A_26] : memref<131072x16xf32, #tpu.memory_space<hbm>> -> memref<131072x16xf32, #tpu.memory_space<hbm>>
    tpu.enqueue_indirect_dma source(%dma_start3A_27 : memref<131072x16xf32, #tpu.memory_space<hbm>>) target(%arg9 : memref<2048x16xf32, #tpu.memory_space<vmem>>) offsets(%arg7 : memref<2048xi32, #tpu.memory_space<vmem>>) semaphore(%arg11 : memref<!tpu.dma_semaphore, #tpu.memory_space<semaphore_mem>>)
    %dma_start3A_28 = arith.constant 0 : i32
    %dma_start3A_29 = arith.constant 0 : i32
    %dma_start3A_30 = tpu.memref_slice %arg3[%dma_start3A_28, %dma_start3A_29] : memref<8192x16xf32, #tpu.memory_space<hbm>> -> memref<8192x16xf32, #tpu.memory_space<hbm>>
    tpu.enqueue_indirect_dma source(%dma_start3A_30 : memref<8192x16xf32, #tpu.memory_space<hbm>>) target(%arg10 : memref<2048x16xf32, #tpu.memory_space<vmem>>) offsets(%arg8 : memref<2048xi32, #tpu.memory_space<vmem>>) semaphore(%arg12 : memref<!tpu.dma_semaphore, #tpu.memory_space<semaphore_mem>>)
    %dma_wait3A_31 = arith.constant 0 : i32
    %dma_wait3A_32 = arith.constant 0 : i32
    %dma_wait3A_33 = tpu.memref_slice %arg2[%dma_wait3A_31, %dma_wait3A_32] : memref<131072x16xf32, #tpu.memory_space<hbm>> -> memref<131072x16xf32, #tpu.memory_space<hbm>>
    tpu.wait_indirect_dma semaphore(%arg11 : memref<!tpu.dma_semaphore, #tpu.memory_space<semaphore_mem>>) src(%dma_wait3A_33 : memref<131072x16xf32, #tpu.memory_space<hbm>>) dst(%arg9 : memref<2048x16xf32, #tpu.memory_space<vmem>>)
    %dma_wait3A_34 = arith.constant 0 : i32
    %dma_wait3A_35 = arith.constant 0 : i32
    %dma_wait3A_36 = tpu.memref_slice %arg3[%dma_wait3A_34, %dma_wait3A_35] : memref<8192x16xf32, #tpu.memory_space<hbm>> -> memref<8192x16xf32, #tpu.memory_space<hbm>>
    tpu.wait_indirect_dma semaphore(%arg12 : memref<!tpu.dma_semaphore, #tpu.memory_space<semaphore_mem>>) src(%dma_wait3A_36 : memref<8192x16xf32, #tpu.memory_space<hbm>>) dst(%arg10 : memref<2048x16xf32, #tpu.memory_space<vmem>>)
    %scan3A_37 = arith.constant 0 : i32
    %scan3A_38 = arith.constant 0 : i32
    %scan3A_39 = arith.constant 512 : i32
    %scan3A_40 = arith.addi %scan3A_38, %scan3A_39 : i32
    %scan3A_41 = arith.constant 1 : i32
    %scan3A_42 = scf.for %scan3A_90 = %scan3A_38 to %scan3A_40 step %scan3A_41 iter_args(%scan3A_91 = %scan3A_37) -> (i32)  : i32 {
      %mul3A_92 = arith.constant 4 : i32
      %mul3A_93 = arith.muli %scan3A_90, %mul3A_92 : i32
      %add3A_94 = arith.constant 0 : i32
      %add3A_95 = arith.addi %mul3A_93, %add3A_94 : i32
      %get3A = arith.index_cast %add3A_95 : i32 to index
      %get3A_96 = arith.constant 0 : index
      %get3A_97 = tpu.vector_load %arg9[%get3A, %get3A_96] {strides = array<i32>} : memref<2048x16xf32, #tpu.memory_space<vmem>>, vector<1x16xf32>,
      %get3A_98 = vector.shape_cast %get3A_97 : vector<1x16xf32> to vector<16xf32>
      %get3A_99 = arith.index_cast %add3A_95 : i32 to index
      %get3A_100 = arith.constant 0 : index
      %get3A_101 = tpu.vector_load %arg10[%get3A_99, %get3A_100] {strides = array<i32>} : memref<2048x16xf32, #tpu.memory_space<vmem>>, vector<1x16xf32>,
      %get3A_102 = vector.shape_cast %get3A_101 : vector<1x16xf32> to vector<16xf32>
      %sub3A = arith.subf %get3A_98, %get3A_102 : vector<16xf32>
      %swap3A = arith.index_cast %add3A_95 : i32 to index
      %swap3A_103 = arith.constant 0 : index
      %swap3A_104 = tpu.vector_load %arg9[%swap3A, %swap3A_103] {strides = array<i32>} : memref<2048x16xf32, #tpu.memory_space<vmem>>, vector<1x16xf32>,
      %swap3A_105 = vector.shape_cast %swap3A_104 : vector<1x16xf32> to vector<16xf32>
      %swap3A_106 = vector.shape_cast %sub3A : vector<16xf32> to vector<1x16xf32>
      tpu.vector_store %arg9[%swap3A, %swap3A_103], %swap3A_106 {strides = array<i32>} : memref<2048x16xf32, #tpu.memory_space<vmem>>, vector<1x16xf32>,
      %mul3A_107 = arith.constant 4 : i32
      %mul3A_108 = arith.muli %scan3A_90, %mul3A_107 : i32
      %add3A_109 = arith.constant 1 : i32
      %add3A_110 = arith.addi %mul3A_108, %add3A_109 : i32
      %get3A_111 = arith.index_cast %add3A_110 : i32 to index
      %get3A_112 = arith.constant 0 : index
      %get3A_113 = tpu.vector_load %arg9[%get3A_111, %get3A_112] {strides = array<i32>} : memref<2048x16xf32, #tpu.memory_space<vmem>>, vector<1x16xf32>,
      %get3A_114 = vector.shape_cast %get3A_113 : vector<1x16xf32> to vector<16xf32>
      %get3A_115 = arith.index_cast %add3A_110 : i32 to index
      %get3A_116 = arith.constant 0 : index
      %get3A_117 = tpu.vector_load %arg10[%get3A_115, %get3A_116] {strides = array<i32>} : memref<2048x16xf32, #tpu.memory_space<vmem>>, vector<1x16xf32>,
      %get3A_118 = vector.shape_cast %get3A_117 : vector<1x16xf32> to vector<16xf32>
      %sub3A_119 = arith.subf %get3A_114, %get3A_118 : vector<16xf32>
      %swap3A_120 = arith.index_cast %add3A_110 : i32 to index
      %swap3A_121 = arith.constant 0 : index
      %swap3A_122 = tpu.vector_load %arg9[%swap3A_120, %swap3A_121] {strides = array<i32>} : memref<2048x16xf32, #tpu.memory_space<vmem>>, vector<1x16xf32>,
      %swap3A_123 = vector.shape_cast %swap3A_122 : vector<1x16xf32> to vector<16xf32>
      %swap3A_124 = vector.shape_cast %sub3A_119 : vector<16xf32> to vector<1x16xf32>
      tpu.vector_store %arg9[%swap3A_120, %swap3A_121], %swap3A_124 {strides = array<i32>} : memref<2048x16xf32, #tpu.memory_space<vmem>>, vector<1x16xf32>,
      %mul3A_125 = arith.constant 4 : i32
      %mul3A_126 = arith.muli %scan3A_90, %mul3A_125 : i32
      %add3A_127 = arith.constant 2 : i32
      %add3A_128 = arith.addi %mul3A_126, %add3A_127 : i32
      %get3A_129 = arith.index_cast %add3A_128 : i32 to index
      %get3A_130 = arith.constant 0 : index
      %get3A_131 = tpu.vector_load %arg9[%get3A_129, %get3A_130] {strides = array<i32>} : memref<2048x16xf32, #tpu.memory_space<vmem>>, vector<1x16xf32>,
      %get3A_132 = vector.shape_cast %get3A_131 : vector<1x16xf32> to vector<16xf32>
      %get3A_133 = arith.index_cast %add3A_128 : i32 to index
      %get3A_134 = arith.constant 0 : index
      %get3A_135 = tpu.vector_load %arg10[%get3A_133, %get3A_134] {strides = array<i32>} : memref<2048x16xf32, #tpu.memory_space<vmem>>, vector<1x16xf32>,
      %get3A_136 = vector.shape_cast %get3A_135 : vector<1x16xf32> to vector<16xf32>
      %sub3A_137 = arith.subf %get3A_132, %get3A_136 : vector<16xf32>
      %swap3A_138 = arith.index_cast %add3A_128 : i32 to index
      %swap3A_139 = arith.constant 0 : index
      %swap3A_140 = tpu.vector_load %arg9[%swap3A_138, %swap3A_139] {strides = array<i32>} : memref<2048x16xf32, #tpu.memory_space<vmem>>, vector<1x16xf32>,
      %swap3A_141 = vector.shape_cast %swap3A_140 : vector<1x16xf32> to vector<16xf32>
      %swap3A_142 = vector.shape_cast %sub3A_137 : vector<16xf32> to vector<1x16xf32>
      tpu.vector_store %arg9[%swap3A_138, %swap3A_139], %swap3A_142 {strides = array<i32>} : memref<2048x16xf32, #tpu.memory_space<vmem>>, vector<1x16xf32>,
      %mul3A_143 = arith.constant 4 : i32
      %mul3A_144 = arith.muli %scan3A_90, %mul3A_143 : i32
      %add3A_145 = arith.constant 3 : i32
      %add3A_146 = arith.addi %mul3A_144, %add3A_145 : i32
      %get3A_147 = arith.index_cast %add3A_146 : i32 to index
      %get3A_148 = arith.constant 0 : index
      %get3A_149 = tpu.vector_load %arg9[%get3A_147, %get3A_148] {strides = array<i32>} : memref<2048x16xf32, #tpu.memory_space<vmem>>, vector<1x16xf32>,
      %get3A_150 = vector.shape_cast %get3A_149 : vector<1x16xf32> to vector<16xf32>
      %get3A_151 = arith.index_cast %add3A_146 : i32 to index
      %get3A_152 = arith.constant 0 : index
      %get3A_153 = tpu.vector_load %arg10[%get3A_151, %get3A_152] {strides = array<i32>} : memref<2048x16xf32, #tpu.memory_space<vmem>>, vector<1x16xf32>,
      %get3A_154 = vector.shape_cast %get3A_153 : vector<1x16xf32> to vector<16xf32>
      %sub3A_155 = arith.subf %get3A_150, %get3A_154 : vector<16xf32>
      %swap3A_156 = arith.index_cast %add3A_146 : i32 to index
      %swap3A_157 = arith.constant 0 : index
      %swap3A_158 = tpu.vector_load %arg9[%swap3A_156, %swap3A_157] {strides = array<i32>} : memref<2048x16xf32, #tpu.memory_space<vmem>>, vector<1x16xf32>,
      %swap3A_159 = vector.shape_cast %swap3A_158 : vector<1x16xf32> to vector<16xf32>
      %swap3A_160 = vector.shape_cast %sub3A_155 : vector<16xf32> to vector<1x16xf32>
      tpu.vector_store %arg9[%swap3A_156, %swap3A_157], %swap3A_160 {strides = array<i32>} : memref<2048x16xf32, #tpu.memory_space<vmem>>, vector<1x16xf32>,
      %scan3A_161 = arith.constant 0 : i32
      scf.yield %scan3A_161 : i32
    }
    %scan3A_43 = arith.constant 512 : i32
    "tpu.region"() ({
      %run_scoped3A = tpu.sem_alloc : memref<!tpu.dma_semaphore, #tpu.memory_space<semaphore_mem>>
      %dma_start3A_90 = arith.constant 0 : i32
      %dma_start3A_91 = tpu.memref_slice %arg6[%add3A_24, %dma_start3A_90] : memref<262144x16xf32, #tpu.memory_space<hbm>> -> memref<2048x16xf32, #tpu.memory_space<hbm>>
      %dma_start3A_92 = arith.constant 0 : i32
      %dma_start3A_93 = tpu.memref_slice %arg6[%add3A_24, %dma_start3A_92] : memref<262144x16xf32, #tpu.memory_space<hbm>> -> memref<2048x16xf32, #tpu.memory_space<hbm>>
      tpu.enqueue_dma source(%arg9 : memref<2048x16xf32, #tpu.memory_space<vmem>>) target(%dma_start3A_93 : memref<2048x16xf32, #tpu.memory_space<hbm>>) target_semaphore(%run_scoped3A : memref<!tpu.dma_semaphore, #tpu.memory_space<semaphore_mem>>)
      %dma_wait3A_94 = arith.constant 0 : i32
      %dma_wait3A_95 = tpu.memref_slice %arg6[%add3A_24, %dma_wait3A_94] : memref<262144x16xf32, #tpu.memory_space<hbm>> -> memref<2048x16xf32, #tpu.memory_space<hbm>>
      %dma_wait3A_96 = arith.constant 0 : i32
      %dma_wait3A_97 = tpu.memref_slice %arg6[%add3A_24, %dma_wait3A_96] : memref<262144x16xf32, #tpu.memory_space<hbm>> -> memref<2048x16xf32, #tpu.memory_space<hbm>>
      tpu.wait_dma2 semaphore(%run_scoped3A : memref<!tpu.dma_semaphore, #tpu.memory_space<semaphore_mem>>) src(%arg9 : memref<2048x16xf32, #tpu.memory_space<vmem>>) dst(%dma_wait3A_97 : memref<2048x16xf32, #tpu.memory_space<hbm>>)
      tpu.yield
    }) : () -> ()
    %mul3A_44 = arith.constant 8192 : i32
    %mul3A_45 = arith.muli %add3A, %mul3A_44 : i32
    %add3A_46 = arith.constant 4096 : i32
    %add3A_47 = arith.addi %mul3A_45, %add3A_46 : i32
    "tpu.region"() ({
      %run_scoped3A = tpu.sem_alloc : memref<!tpu.dma_semaphore, #tpu.memory_space<semaphore_mem>>
      %dma_start3A_90 = tpu.memref_slice %arg4[%add3A_47] : memref<262144xi32, #tpu.memory_space<hbm>> -> memref<2048xi32, #tpu.memory_space<hbm>>
      %dma_start3A_91 = tpu.memref_slice %arg4[%add3A_47] : memref<262144xi32, #tpu.memory_space<hbm>> -> memref<2048xi32, #tpu.memory_space<hbm>>
      tpu.enqueue_dma source(%dma_start3A_91 : memref<2048xi32, #tpu.memory_space<hbm>>) target(%arg7 : memref<2048xi32, #tpu.memory_space<vmem>>) target_semaphore(%run_scoped3A : memref<!tpu.dma_semaphore, #tpu.memory_space<semaphore_mem>>)
      %dma_wait3A_92 = tpu.memref_slice %arg4[%add3A_47] : memref<262144xi32, #tpu.memory_space<hbm>> -> memref<2048xi32, #tpu.memory_space<hbm>>
      %dma_wait3A_93 = tpu.memref_slice %arg4[%add3A_47] : memref<262144xi32, #tpu.memory_space<hbm>> -> memref<2048xi32, #tpu.memory_space<hbm>>
      tpu.wait_dma2 semaphore(%run_scoped3A : memref<!tpu.dma_semaphore, #tpu.memory_space<semaphore_mem>>) src(%dma_wait3A_93 : memref<2048xi32, #tpu.memory_space<hbm>>) dst(%arg7 : memref<2048xi32, #tpu.memory_space<vmem>>)
      tpu.yield
    }) : () -> ()
    "tpu.region"() ({
      %run_scoped3A = tpu.sem_alloc : memref<!tpu.dma_semaphore, #tpu.memory_space<semaphore_mem>>
      %dma_start3A_90 = tpu.memref_slice %arg5[%add3A_47] : memref<262144xi32, #tpu.memory_space<hbm>> -> memref<2048xi32, #tpu.memory_space<hbm>>
      %dma_start3A_91 = tpu.memref_slice %arg5[%add3A_47] : memref<262144xi32, #tpu.memory_space<hbm>> -> memref<2048xi32, #tpu.memory_space<hbm>>
      tpu.enqueue_dma source(%dma_start3A_91 : memref<2048xi32, #tpu.memory_space<hbm>>) target(%arg8 : memref<2048xi32, #tpu.memory_space<vmem>>) target_semaphore(%run_scoped3A : memref<!tpu.dma_semaphore, #tpu.memory_space<semaphore_mem>>)
      %dma_wait3A_92 = tpu.memref_slice %arg5[%add3A_47] : memref<262144xi32, #tpu.memory_space<hbm>> -> memref<2048xi32, #tpu.memory_space<hbm>>
      %dma_wait3A_93 = tpu.memref_slice %arg5[%add3A_47] : memref<262144xi32, #tpu.memory_space<hbm>> -> memref<2048xi32, #tpu.memory_space<hbm>>
      tpu.wait_dma2 semaphore(%run_scoped3A : memref<!tpu.dma_semaphore, #tpu.memory_space<semaphore_mem>>) src(%dma_wait3A_93 : memref<2048xi32, #tpu.memory_space<hbm>>) dst(%arg8 : memref<2048xi32, #tpu.memory_space<vmem>>)
      tpu.yield
    }) : () -> ()
    %dma_start3A_48 = arith.constant 0 : i32
    %dma_start3A_49 = arith.constant 0 : i32
    %dma_start3A_50 = tpu.memref_slice %arg2[%dma_start3A_48, %dma_start3A_49] : memref<131072x16xf32, #tpu.memory_space<hbm>> -> memref<131072x16xf32, #tpu.memory_space<hbm>>
    tpu.enqueue_indirect_dma source(%dma_start3A_50 : memref<131072x16xf32, #tpu.memory_space<hbm>>) target(%arg9 : memref<2048x16xf32, #tpu.memory_space<vmem>>) offsets(%arg7 : memref<2048xi32, #tpu.memory_space<vmem>>) semaphore(%arg11 : memref<!tpu.dma_semaphore, #tpu.memory_space<semaphore_mem>>)
    %dma_start3A_51 = arith.constant 0 : i32
    %dma_start3A_52 = arith.constant 0 : i32
    %dma_start3A_53 = tpu.memref_slice %arg3[%dma_start3A_51, %dma_start3A_52] : memref<8192x16xf32, #tpu.memory_space<hbm>> -> memref<8192x16xf32, #tpu.memory_space<hbm>>
    tpu.enqueue_indirect_dma source(%dma_start3A_53 : memref<8192x16xf32, #tpu.memory_space<hbm>>) target(%arg10 : memref<2048x16xf32, #tpu.memory_space<vmem>>) offsets(%arg8 : memref<2048xi32, #tpu.memory_space<vmem>>) semaphore(%arg12 : memref<!tpu.dma_semaphore, #tpu.memory_space<semaphore_mem>>)
    %dma_wait3A_54 = arith.constant 0 : i32
    %dma_wait3A_55 = arith.constant 0 : i32
    %dma_wait3A_56 = tpu.memref_slice %arg2[%dma_wait3A_54, %dma_wait3A_55] : memref<131072x16xf32, #tpu.memory_space<hbm>> -> memref<131072x16xf32, #tpu.memory_space<hbm>>
    tpu.wait_indirect_dma semaphore(%arg11 : memref<!tpu.dma_semaphore, #tpu.memory_space<semaphore_mem>>) src(%dma_wait3A_56 : memref<131072x16xf32, #tpu.memory_space<hbm>>) dst(%arg9 : memref<2048x16xf32, #tpu.memory_space<vmem>>)
    %dma_wait3A_57 = arith.constant 0 : i32
    %dma_wait3A_58 = arith.constant 0 : i32
    %dma_wait3A_59 = tpu.memref_slice %arg3[%dma_wait3A_57, %dma_wait3A_58] : memref<8192x16xf32, #tpu.memory_space<hbm>> -> memref<8192x16xf32, #tpu.memory_space<hbm>>
    tpu.wait_indirect_dma semaphore(%arg12 : memref<!tpu.dma_semaphore, #tpu.memory_space<semaphore_mem>>) src(%dma_wait3A_59 : memref<8192x16xf32, #tpu.memory_space<hbm>>) dst(%arg10 : memref<2048x16xf32, #tpu.memory_space<vmem>>)
    %scan3A_60 = arith.constant 0 : i32
    %scan3A_61 = arith.constant 0 : i32
    %scan3A_62 = arith.constant 512 : i32
    %scan3A_63 = arith.addi %scan3A_61, %scan3A_62 : i32
    %scan3A_64 = arith.constant 1 : i32
    %scan3A_65 = scf.for %scan3A_90 = %scan3A_61 to %scan3A_63 step %scan3A_64 iter_args(%scan3A_91 = %scan3A_60) -> (i32)  : i32 {
      %mul3A_92 = arith.constant 4 : i32
      %mul3A_93 = arith.muli %scan3A_90, %mul3A_92 : i32
      %add3A_94 = arith.constant 0 : i32
      %add3A_95 = arith.addi %mul3A_93, %add3A_94 : i32
      %get3A = arith.index_cast %add3A_95 : i32 to index
      %get3A_96 = arith.constant 0 : index
      %get3A_97 = tpu.vector_load %arg9[%get3A, %get3A_96] {strides = array<i32>} : memref<2048x16xf32, #tpu.memory_space<vmem>>, vector<1x16xf32>,
      %get3A_98 = vector.shape_cast %get3A_97 : vector<1x16xf32> to vector<16xf32>
      %get3A_99 = arith.index_cast %add3A_95 : i32 to index
      %get3A_100 = arith.constant 0 : index
      %get3A_101 = tpu.vector_load %arg10[%get3A_99, %get3A_100] {strides = array<i32>} : memref<2048x16xf32, #tpu.memory_space<vmem>>, vector<1x16xf32>,
      %get3A_102 = vector.shape_cast %get3A_101 : vector<1x16xf32> to vector<16xf32>
      %sub3A = arith.subf %get3A_98, %get3A_102 : vector<16xf32>
      %swap3A = arith.index_cast %add3A_95 : i32 to index
      %swap3A_103 = arith.constant 0 : index
      %swap3A_104 = tpu.vector_load %arg9[%swap3A, %swap3A_103] {strides = array<i32>} : memref<2048x16xf32, #tpu.memory_space<vmem>>, vector<1x16xf32>,
      %swap3A_105 = vector.shape_cast %swap3A_104 : vector<1x16xf32> to vector<16xf32>
      %swap3A_106 = vector.shape_cast %sub3A : vector<16xf32> to vector<1x16xf32>
      tpu.vector_store %arg9[%swap3A, %swap3A_103], %swap3A_106 {strides = array<i32>} : memref<2048x16xf32, #tpu.memory_space<vmem>>, vector<1x16xf32>,
      %mul3A_107 = arith.constant 4 : i32
      %mul3A_108 = arith.muli %scan3A_90, %mul3A_107 : i32
      %add3A_109 = arith.constant 1 : i32
      %add3A_110 = arith.addi %mul3A_108, %add3A_109 : i32
      %get3A_111 = arith.index_cast %add3A_110 : i32 to index
      %get3A_112 = arith.constant 0 : index
      %get3A_113 = tpu.vector_load %arg9[%get3A_111, %get3A_112] {strides = array<i32>} : memref<2048x16xf32, #tpu.memory_space<vmem>>, vector<1x16xf32>,
      %get3A_114 = vector.shape_cast %get3A_113 : vector<1x16xf32> to vector<16xf32>
      %get3A_115 = arith.index_cast %add3A_110 : i32 to index
      %get3A_116 = arith.constant 0 : index
      %get3A_117 = tpu.vector_load %arg10[%get3A_115, %get3A_116] {strides = array<i32>} : memref<2048x16xf32, #tpu.memory_space<vmem>>, vector<1x16xf32>,
      %get3A_118 = vector.shape_cast %get3A_117 : vector<1x16xf32> to vector<16xf32>
      %sub3A_119 = arith.subf %get3A_114, %get3A_118 : vector<16xf32>
      %swap3A_120 = arith.index_cast %add3A_110 : i32 to index
      %swap3A_121 = arith.constant 0 : index
      %swap3A_122 = tpu.vector_load %arg9[%swap3A_120, %swap3A_121] {strides = array<i32>} : memref<2048x16xf32, #tpu.memory_space<vmem>>, vector<1x16xf32>,
      %swap3A_123 = vector.shape_cast %swap3A_122 : vector<1x16xf32> to vector<16xf32>
      %swap3A_124 = vector.shape_cast %sub3A_119 : vector<16xf32> to vector<1x16xf32>
      tpu.vector_store %arg9[%swap3A_120, %swap3A_121], %swap3A_124 {strides = array<i32>} : memref<2048x16xf32, #tpu.memory_space<vmem>>, vector<1x16xf32>,
      %mul3A_125 = arith.constant 4 : i32
      %mul3A_126 = arith.muli %scan3A_90, %mul3A_125 : i32
      %add3A_127 = arith.constant 2 : i32
      %add3A_128 = arith.addi %mul3A_126, %add3A_127 : i32
      %get3A_129 = arith.index_cast %add3A_128 : i32 to index
      %get3A_130 = arith.constant 0 : index
      %get3A_131 = tpu.vector_load %arg9[%get3A_129, %get3A_130] {strides = array<i32>} : memref<2048x16xf32, #tpu.memory_space<vmem>>, vector<1x16xf32>,
      %get3A_132 = vector.shape_cast %get3A_131 : vector<1x16xf32> to vector<16xf32>
      %get3A_133 = arith.index_cast %add3A_128 : i32 to index
      %get3A_134 = arith.constant 0 : index
      %get3A_135 = tpu.vector_load %arg10[%get3A_133, %get3A_134] {strides = array<i32>} : memref<2048x16xf32, #tpu.memory_space<vmem>>, vector<1x16xf32>,
      %get3A_136 = vector.shape_cast %get3A_135 : vector<1x16xf32> to vector<16xf32>
      %sub3A_137 = arith.subf %get3A_132, %get3A_136 : vector<16xf32>
      %swap3A_138 = arith.index_cast %add3A_128 : i32 to index
      %swap3A_139 = arith.constant 0 : index
      %swap3A_140 = tpu.vector_load %arg9[%swap3A_138, %swap3A_139] {strides = array<i32>} : memref<2048x16xf32, #tpu.memory_space<vmem>>, vector<1x16xf32>,
      %swap3A_141 = vector.shape_cast %swap3A_140 : vector<1x16xf32> to vector<16xf32>
      %swap3A_142 = vector.shape_cast %sub3A_137 : vector<16xf32> to vector<1x16xf32>
      tpu.vector_store %arg9[%swap3A_138, %swap3A_139], %swap3A_142 {strides = array<i32>} : memref<2048x16xf32, #tpu.memory_space<vmem>>, vector<1x16xf32>,
      %mul3A_143 = arith.constant 4 : i32
      %mul3A_144 = arith.muli %scan3A_90, %mul3A_143 : i32
      %add3A_145 = arith.constant 3 : i32
      %add3A_146 = arith.addi %mul3A_144, %add3A_145 : i32
      %get3A_147 = arith.index_cast %add3A_146 : i32 to index
      %get3A_148 = arith.constant 0 : index
      %get3A_149 = tpu.vector_load %arg9[%get3A_147, %get3A_148] {strides = array<i32>} : memref<2048x16xf32, #tpu.memory_space<vmem>>, vector<1x16xf32>,
      %get3A_150 = vector.shape_cast %get3A_149 : vector<1x16xf32> to vector<16xf32>
      %get3A_151 = arith.index_cast %add3A_146 : i32 to index
      %get3A_152 = arith.constant 0 : index
      %get3A_153 = tpu.vector_load %arg10[%get3A_151, %get3A_152] {strides = array<i32>} : memref<2048x16xf32, #tpu.memory_space<vmem>>, vector<1x16xf32>,
      %get3A_154 = vector.shape_cast %get3A_153 : vector<1x16xf32> to vector<16xf32>
      %sub3A_155 = arith.subf %get3A_150, %get3A_154 : vector<16xf32>
      %swap3A_156 = arith.index_cast %add3A_146 : i32 to index
      %swap3A_157 = arith.constant 0 : index
      %swap3A_158 = tpu.vector_load %arg9[%swap3A_156, %swap3A_157] {strides = array<i32>} : memref<2048x16xf32, #tpu.memory_space<vmem>>, vector<1x16xf32>,
      %swap3A_159 = vector.shape_cast %swap3A_158 : vector<1x16xf32> to vector<16xf32>
      %swap3A_160 = vector.shape_cast %sub3A_155 : vector<16xf32> to vector<1x16xf32>
      tpu.vector_store %arg9[%swap3A_156, %swap3A_157], %swap3A_160 {strides = array<i32>} : memref<2048x16xf32, #tpu.memory_space<vmem>>, vector<1x16xf32>,
      %scan3A_161 = arith.constant 0 : i32
      scf.yield %scan3A_161 : i32
    }
    %scan3A_66 = arith.constant 512 : i32
    "tpu.region"() ({
      %run_scoped3A = tpu.sem_alloc : memref<!tpu.dma_semaphore, #tpu.memory_space<semaphore_mem>>
      %dma_start3A_90 = arith.constant 0 : i32
      %dma_start3A_91 = tpu.memref_slice %arg6[%add3A_47, %dma_start3A_90] : memref<262144x16xf32, #tpu.memory_space<hbm>> -> memref<2048x16xf32, #tpu.memory_space<hbm>>
      %dma_start3A_92 = arith.constant 0 : i32
      %dma_start3A_93 = tpu.memref_slice %arg6[%add3A_47, %dma_start3A_92] : memref<262144x16xf32, #tpu.memory_space<hbm>> -> memref<2048x16xf32, #tpu.memory_space<hbm>>
      tpu.enqueue_dma source(%arg9 : memref<2048x16xf32, #tpu.memory_space<vmem>>) target(%dma_start3A_93 : memref<2048x16xf32, #tpu.memory_space<hbm>>) target_semaphore(%run_scoped3A : memref<!tpu.dma_semaphore, #tpu.memory_space<semaphore_mem>>)
      %dma_wait3A_94 = arith.constant 0 : i32
      %dma_wait3A_95 = tpu.memref_slice %arg6[%add3A_47, %dma_wait3A_94] : memref<262144x16xf32, #tpu.memory_space<hbm>> -> memref<2048x16xf32, #tpu.memory_space<hbm>>
      %dma_wait3A_96 = arith.constant 0 : i32
      %dma_wait3A_97 = tpu.memref_slice %arg6[%add3A_47, %dma_wait3A_96] : memref<262144x16xf32, #tpu.memory_space<hbm>> -> memref<2048x16xf32, #tpu.memory_space<hbm>>
      tpu.wait_dma2 semaphore(%run_scoped3A : memref<!tpu.dma_semaphore, #tpu.memory_space<semaphore_mem>>) src(%arg9 : memref<2048x16xf32, #tpu.memory_space<vmem>>) dst(%dma_wait3A_97 : memref<2048x16xf32, #tpu.memory_space<hbm>>)
      tpu.yield
    }) : () -> ()
    %mul3A_67 = arith.constant 8192 : i32
    %mul3A_68 = arith.muli %add3A, %mul3A_67 : i32
    %add3A_69 = arith.constant 6144 : i32
    %add3A_70 = arith.addi %mul3A_68, %add3A_69 : i32
    "tpu.region"() ({
      %run_scoped3A = tpu.sem_alloc : memref<!tpu.dma_semaphore, #tpu.memory_space<semaphore_mem>>
      %dma_start3A_90 = tpu.memref_slice %arg4[%add3A_70] : memref<262144xi32, #tpu.memory_space<hbm>> -> memref<2048xi32, #tpu.memory_space<hbm>>
      %dma_start3A_91 = tpu.memref_slice %arg4[%add3A_70] : memref<262144xi32, #tpu.memory_space<hbm>> -> memref<2048xi32, #tpu.memory_space<hbm>>
      tpu.enqueue_dma source(%dma_start3A_91 : memref<2048xi32, #tpu.memory_space<hbm>>) target(%arg7 : memref<2048xi32, #tpu.memory_space<vmem>>) target_semaphore(%run_scoped3A : memref<!tpu.dma_semaphore, #tpu.memory_space<semaphore_mem>>)
      %dma_wait3A_92 = tpu.memref_slice %arg4[%add3A_70] : memref<262144xi32, #tpu.memory_space<hbm>> -> memref<2048xi32, #tpu.memory_space<hbm>>
      %dma_wait3A_93 = tpu.memref_slice %arg4[%add3A_70] : memref<262144xi32, #tpu.memory_space<hbm>> -> memref<2048xi32, #tpu.memory_space<hbm>>
      tpu.wait_dma2 semaphore(%run_scoped3A : memref<!tpu.dma_semaphore, #tpu.memory_space<semaphore_mem>>) src(%dma_wait3A_93 : memref<2048xi32, #tpu.memory_space<hbm>>) dst(%arg7 : memref<2048xi32, #tpu.memory_space<vmem>>)
      tpu.yield
    }) : () -> ()
    "tpu.region"() ({
      %run_scoped3A = tpu.sem_alloc : memref<!tpu.dma_semaphore, #tpu.memory_space<semaphore_mem>>
      %dma_start3A_90 = tpu.memref_slice %arg5[%add3A_70] : memref<262144xi32, #tpu.memory_space<hbm>> -> memref<2048xi32, #tpu.memory_space<hbm>>
      %dma_start3A_91 = tpu.memref_slice %arg5[%add3A_70] : memref<262144xi32, #tpu.memory_space<hbm>> -> memref<2048xi32, #tpu.memory_space<hbm>>
      tpu.enqueue_dma source(%dma_start3A_91 : memref<2048xi32, #tpu.memory_space<hbm>>) target(%arg8 : memref<2048xi32, #tpu.memory_space<vmem>>) target_semaphore(%run_scoped3A : memref<!tpu.dma_semaphore, #tpu.memory_space<semaphore_mem>>)
      %dma_wait3A_92 = tpu.memref_slice %arg5[%add3A_70] : memref<262144xi32, #tpu.memory_space<hbm>> -> memref<2048xi32, #tpu.memory_space<hbm>>
      %dma_wait3A_93 = tpu.memref_slice %arg5[%add3A_70] : memref<262144xi32, #tpu.memory_space<hbm>> -> memref<2048xi32, #tpu.memory_space<hbm>>
      tpu.wait_dma2 semaphore(%run_scoped3A : memref<!tpu.dma_semaphore, #tpu.memory_space<semaphore_mem>>) src(%dma_wait3A_93 : memref<2048xi32, #tpu.memory_space<hbm>>) dst(%arg8 : memref<2048xi32, #tpu.memory_space<vmem>>)
      tpu.yield
    }) : () -> ()
    %dma_start3A_71 = arith.constant 0 : i32
    %dma_start3A_72 = arith.constant 0 : i32
    %dma_start3A_73 = tpu.memref_slice %arg2[%dma_start3A_71, %dma_start3A_72] : memref<131072x16xf32, #tpu.memory_space<hbm>> -> memref<131072x16xf32, #tpu.memory_space<hbm>>
    tpu.enqueue_indirect_dma source(%dma_start3A_73 : memref<131072x16xf32, #tpu.memory_space<hbm>>) target(%arg9 : memref<2048x16xf32, #tpu.memory_space<vmem>>) offsets(%arg7 : memref<2048xi32, #tpu.memory_space<vmem>>) semaphore(%arg11 : memref<!tpu.dma_semaphore, #tpu.memory_space<semaphore_mem>>)
    %dma_start3A_74 = arith.constant 0 : i32
    %dma_start3A_75 = arith.constant 0 : i32
    %dma_start3A_76 = tpu.memref_slice %arg3[%dma_start3A_74, %dma_start3A_75] : memref<8192x16xf32, #tpu.memory_space<hbm>> -> memref<8192x16xf32, #tpu.memory_space<hbm>>
    tpu.enqueue_indirect_dma source(%dma_start3A_76 : memref<8192x16xf32, #tpu.memory_space<hbm>>) target(%arg10 : memref<2048x16xf32, #tpu.memory_space<vmem>>) offsets(%arg8 : memref<2048xi32, #tpu.memory_space<vmem>>) semaphore(%arg12 : memref<!tpu.dma_semaphore, #tpu.memory_space<semaphore_mem>>)
    %dma_wait3A_77 = arith.constant 0 : i32
    %dma_wait3A_78 = arith.constant 0 : i32
    %dma_wait3A_79 = tpu.memref_slice %arg2[%dma_wait3A_77, %dma_wait3A_78] : memref<131072x16xf32, #tpu.memory_space<hbm>> -> memref<131072x16xf32, #tpu.memory_space<hbm>>
    tpu.wait_indirect_dma semaphore(%arg11 : memref<!tpu.dma_semaphore, #tpu.memory_space<semaphore_mem>>) src(%dma_wait3A_79 : memref<131072x16xf32, #tpu.memory_space<hbm>>) dst(%arg9 : memref<2048x16xf32, #tpu.memory_space<vmem>>)
    %dma_wait3A_80 = arith.constant 0 : i32
    %dma_wait3A_81 = arith.constant 0 : i32
    %dma_wait3A_82 = tpu.memref_slice %arg3[%dma_wait3A_80, %dma_wait3A_81] : memref<8192x16xf32, #tpu.memory_space<hbm>> -> memref<8192x16xf32, #tpu.memory_space<hbm>>
    tpu.wait_indirect_dma semaphore(%arg12 : memref<!tpu.dma_semaphore, #tpu.memory_space<semaphore_mem>>) src(%dma_wait3A_82 : memref<8192x16xf32, #tpu.memory_space<hbm>>) dst(%arg10 : memref<2048x16xf32, #tpu.memory_space<vmem>>)
    %scan3A_83 = arith.constant 0 : i32
    %scan3A_84 = arith.constant 0 : i32
    %scan3A_85 = arith.constant 512 : i32
    %scan3A_86 = arith.addi %scan3A_84, %scan3A_85 : i32
    %scan3A_87 = arith.constant 1 : i32
    %scan3A_88 = scf.for %scan3A_90 = %scan3A_84 to %scan3A_86 step %scan3A_87 iter_args(%scan3A_91 = %scan3A_83) -> (i32)  : i32 {
      %mul3A_92 = arith.constant 4 : i32
      %mul3A_93 = arith.muli %scan3A_90, %mul3A_92 : i32
      %add3A_94 = arith.constant 0 : i32
      %add3A_95 = arith.addi %mul3A_93, %add3A_94 : i32
      %get3A = arith.index_cast %add3A_95 : i32 to index
      %get3A_96 = arith.constant 0 : index
      %get3A_97 = tpu.vector_load %arg9[%get3A, %get3A_96] {strides = array<i32>} : memref<2048x16xf32, #tpu.memory_space<vmem>>, vector<1x16xf32>,
      %get3A_98 = vector.shape_cast %get3A_97 : vector<1x16xf32> to vector<16xf32>
      %get3A_99 = arith.index_cast %add3A_95 : i32 to index
      %get3A_100 = arith.constant 0 : index
      %get3A_101 = tpu.vector_load %arg10[%get3A_99, %get3A_100] {strides = array<i32>} : memref<2048x16xf32, #tpu.memory_space<vmem>>, vector<1x16xf32>,
      %get3A_102 = vector.shape_cast %get3A_101 : vector<1x16xf32> to vector<16xf32>
      %sub3A = arith.subf %get3A_98, %get3A_102 : vector<16xf32>
      %swap3A = arith.index_cast %add3A_95 : i32 to index
      %swap3A_103 = arith.constant 0 : index
      %swap3A_104 = tpu.vector_load %arg9[%swap3A, %swap3A_103] {strides = array<i32>} : memref<2048x16xf32, #tpu.memory_space<vmem>>, vector<1x16xf32>,
      %swap3A_105 = vector.shape_cast %swap3A_104 : vector<1x16xf32> to vector<16xf32>
      %swap3A_106 = vector.shape_cast %sub3A : vector<16xf32> to vector<1x16xf32>
      tpu.vector_store %arg9[%swap3A, %swap3A_103], %swap3A_106 {strides = array<i32>} : memref<2048x16xf32, #tpu.memory_space<vmem>>, vector<1x16xf32>,
      %mul3A_107 = arith.constant 4 : i32
      %mul3A_108 = arith.muli %scan3A_90, %mul3A_107 : i32
      %add3A_109 = arith.constant 1 : i32
      %add3A_110 = arith.addi %mul3A_108, %add3A_109 : i32
      %get3A_111 = arith.index_cast %add3A_110 : i32 to index
      %get3A_112 = arith.constant 0 : index
      %get3A_113 = tpu.vector_load %arg9[%get3A_111, %get3A_112] {strides = array<i32>} : memref<2048x16xf32, #tpu.memory_space<vmem>>, vector<1x16xf32>,
      %get3A_114 = vector.shape_cast %get3A_113 : vector<1x16xf32> to vector<16xf32>
      %get3A_115 = arith.index_cast %add3A_110 : i32 to index
      %get3A_116 = arith.constant 0 : index
      %get3A_117 = tpu.vector_load %arg10[%get3A_115, %get3A_116] {strides = array<i32>} : memref<2048x16xf32, #tpu.memory_space<vmem>>, vector<1x16xf32>,
      %get3A_118 = vector.shape_cast %get3A_117 : vector<1x16xf32> to vector<16xf32>
      %sub3A_119 = arith.subf %get3A_114, %get3A_118 : vector<16xf32>
      %swap3A_120 = arith.index_cast %add3A_110 : i32 to index
      %swap3A_121 = arith.constant 0 : index
      %swap3A_122 = tpu.vector_load %arg9[%swap3A_120, %swap3A_121] {strides = array<i32>} : memref<2048x16xf32, #tpu.memory_space<vmem>>, vector<1x16xf32>,
      %swap3A_123 = vector.shape_cast %swap3A_122 : vector<1x16xf32> to vector<16xf32>
      %swap3A_124 = vector.shape_cast %sub3A_119 : vector<16xf32> to vector<1x16xf32>
      tpu.vector_store %arg9[%swap3A_120, %swap3A_121], %swap3A_124 {strides = array<i32>} : memref<2048x16xf32, #tpu.memory_space<vmem>>, vector<1x16xf32>,
      %mul3A_125 = arith.constant 4 : i32
      %mul3A_126 = arith.muli %scan3A_90, %mul3A_125 : i32
      %add3A_127 = arith.constant 2 : i32
      %add3A_128 = arith.addi %mul3A_126, %add3A_127 : i32
      %get3A_129 = arith.index_cast %add3A_128 : i32 to index
      %get3A_130 = arith.constant 0 : index
      %get3A_131 = tpu.vector_load %arg9[%get3A_129, %get3A_130] {strides = array<i32>} : memref<2048x16xf32, #tpu.memory_space<vmem>>, vector<1x16xf32>,
      %get3A_132 = vector.shape_cast %get3A_131 : vector<1x16xf32> to vector<16xf32>
      %get3A_133 = arith.index_cast %add3A_128 : i32 to index
      %get3A_134 = arith.constant 0 : index
      %get3A_135 = tpu.vector_load %arg10[%get3A_133, %get3A_134] {strides = array<i32>} : memref<2048x16xf32, #tpu.memory_space<vmem>>, vector<1x16xf32>,
      %get3A_136 = vector.shape_cast %get3A_135 : vector<1x16xf32> to vector<16xf32>
      %sub3A_137 = arith.subf %get3A_132, %get3A_136 : vector<16xf32>
      %swap3A_138 = arith.index_cast %add3A_128 : i32 to index
      %swap3A_139 = arith.constant 0 : index
      %swap3A_140 = tpu.vector_load %arg9[%swap3A_138, %swap3A_139] {strides = array<i32>} : memref<2048x16xf32, #tpu.memory_space<vmem>>, vector<1x16xf32>,
      %swap3A_141 = vector.shape_cast %swap3A_140 : vector<1x16xf32> to vector<16xf32>
      %swap3A_142 = vector.shape_cast %sub3A_137 : vector<16xf32> to vector<1x16xf32>
      tpu.vector_store %arg9[%swap3A_138, %swap3A_139], %swap3A_142 {strides = array<i32>} : memref<2048x16xf32, #tpu.memory_space<vmem>>, vector<1x16xf32>,
      %mul3A_143 = arith.constant 4 : i32
      %mul3A_144 = arith.muli %scan3A_90, %mul3A_143 : i32
      %add3A_145 = arith.constant 3 : i32
      %add3A_146 = arith.addi %mul3A_144, %add3A_145 : i32
      %get3A_147 = arith.index_cast %add3A_146 : i32 to index
      %get3A_148 = arith.constant 0 : index
      %get3A_149 = tpu.vector_load %arg9[%get3A_147, %get3A_148] {strides = array<i32>} : memref<2048x16xf32, #tpu.memory_space<vmem>>, vector<1x16xf32>,
      %get3A_150 = vector.shape_cast %get3A_149 : vector<1x16xf32> to vector<16xf32>
      %get3A_151 = arith.index_cast %add3A_146 : i32 to index
      %get3A_152 = arith.constant 0 : index
      %get3A_153 = tpu.vector_load %arg10[%get3A_151, %get3A_152] {strides = array<i32>} : memref<2048x16xf32, #tpu.memory_space<vmem>>, vector<1x16xf32>,
      %get3A_154 = vector.shape_cast %get3A_153 : vector<1x16xf32> to vector<16xf32>
      %sub3A_155 = arith.subf %get3A_150, %get3A_154 : vector<16xf32>
      %swap3A_156 = arith.index_cast %add3A_146 : i32 to index
      %swap3A_157 = arith.constant 0 : index
      %swap3A_158 = tpu.vector_load %arg9[%swap3A_156, %swap3A_157] {strides = array<i32>} : memref<2048x16xf32, #tpu.memory_space<vmem>>, vector<1x16xf32>,
      %swap3A_159 = vector.shape_cast %swap3A_158 : vector<1x16xf32> to vector<16xf32>
      %swap3A_160 = vector.shape_cast %sub3A_155 : vector<16xf32> to vector<1x16xf32>
      tpu.vector_store %arg9[%swap3A_156, %swap3A_157], %swap3A_160 {strides = array<i32>} : memref<2048x16xf32, #tpu.memory_space<vmem>>, vector<1x16xf32>,
      %scan3A_161 = arith.constant 0 : i32
      scf.yield %scan3A_161 : i32
    }
    %scan3A_89 = arith.constant 512 : i32
    "tpu.region"() ({
      %run_scoped3A = tpu.sem_alloc : memref<!tpu.dma_semaphore, #tpu.memory_space<semaphore_mem>>
      %dma_start3A_90 = arith.constant 0 : i32
      %dma_start3A_91 = tpu.memref_slice %arg6[%add3A_70, %dma_start3A_90] : memref<262144x16xf32, #tpu.memory_space<hbm>> -> memref<2048x16xf32, #tpu.memory_space<hbm>>
      %dma_start3A_92 = arith.constant 0 : i32
      %dma_start3A_93 = tpu.memref_slice %arg6[%add3A_70, %dma_start3A_92] : memref<262144x16xf32, #tpu.memory_space<hbm>> -> memref<2048x16xf32, #tpu.memory_space<hbm>>
      tpu.enqueue_dma source(%arg9 : memref<2048x16xf32, #tpu.memory_space<vmem>>) target(%dma_start3A_93 : memref<2048x16xf32, #tpu.memory_space<hbm>>) target_semaphore(%run_scoped3A : memref<!tpu.dma_semaphore, #tpu.memory_space<semaphore_mem>>)
      %dma_wait3A_94 = arith.constant 0 : i32
      %dma_wait3A_95 = tpu.memref_slice %arg6[%add3A_70, %dma_wait3A_94] : memref<262144x16xf32, #tpu.memory_space<hbm>> -> memref<2048x16xf32, #tpu.memory_space<hbm>>
      %dma_wait3A_96 = arith.constant 0 : i32
      %dma_wait3A_97 = tpu.memref_slice %arg6[%add3A_70, %dma_wait3A_96] : memref<262144x16xf32, #tpu.memory_space<hbm>> -> memref<2048x16xf32, #tpu.memory_space<hbm>>
      tpu.wait_dma2 semaphore(%run_scoped3A : memref<!tpu.dma_semaphore, #tpu.memory_space<semaphore_mem>>) src(%arg9 : memref<2048x16xf32, #tpu.memory_space<vmem>>) dst(%dma_wait3A_97 : memref<2048x16xf32, #tpu.memory_space<hbm>>)
      tpu.yield
    }) : () -> ()
    return
  }
}

module attributes {stable_mosaic.version = 14 : i64} {
  func.func @_fps_body(%arg0: memref<16x1x8192xf32, #tpu.memory_space<vmem>>, %arg1: memref<16x1x8192xf32, #tpu.memory_space<vmem>>, %arg2: memref<16x1x8192xf32, #tpu.memory_space<vmem>>, %arg3: memref<16x512xf32, #tpu.memory_space<vmem>>, %arg4: memref<16x512xf32, #tpu.memory_space<vmem>>, %arg5: memref<16x512xf32, #tpu.memory_space<vmem>>) attributes {dimension_semantics = [], scalar_prefetch = 0 : i64, scratch_operands = 0 : i64, tpu.core_type = #tpu.core_type<tc>} {
    %get3A = arith.constant 0 : index
    %get3A_0 = arith.constant 0 : index
    %get3A_1 = arith.constant 0 : index
    %get3A_2 = vector.load %arg0[%get3A, %get3A_0, %get3A_1] : memref<16x1x8192xf32, #tpu.memory_space<vmem>>, vector<16x1x8192xf32>
    %get3A_3 = vector.shape_cast %get3A_2 : vector<16x1x8192xf32> to vector<16x8192xf32>
    %get3A_4 = arith.constant 0 : index
    %get3A_5 = arith.constant 0 : index
    %get3A_6 = arith.constant 0 : index
    %get3A_7 = vector.load %arg1[%get3A_4, %get3A_5, %get3A_6] : memref<16x1x8192xf32, #tpu.memory_space<vmem>>, vector<16x1x8192xf32>
    %get3A_8 = vector.shape_cast %get3A_7 : vector<16x1x8192xf32> to vector<16x8192xf32>
    %get3A_9 = arith.constant 0 : index
    %get3A_10 = arith.constant 0 : index
    %get3A_11 = arith.constant 0 : index
    %get3A_12 = vector.load %arg2[%get3A_9, %get3A_10, %get3A_11] : memref<16x1x8192xf32, #tpu.memory_space<vmem>>, vector<16x1x8192xf32>
    %get3A_13 = vector.shape_cast %get3A_12 : vector<16x1x8192xf32> to vector<16x8192xf32>
    %iota3A = tpu.iota {dimensions = array<i32: 1>} : vector<16x8192xi32>
    %iota3A_14 = tpu.iota {dimensions = array<i32: 1>} : vector<16x512xi32>
    %broadcast_in_dim3A = arith.constant 1.000000e+10 : f32
    %broadcast_in_dim3A_15 = vector.broadcast %broadcast_in_dim3A : f32 to vector<16x8192xf32>
    %broadcast_in_dim3A_16 = arith.constant 0 : i32
    %broadcast_in_dim3A_17 = vector.broadcast %broadcast_in_dim3A_16 : i32 to vector<16xi32>
    %broadcast_in_dim3A_18 = arith.constant 0.000000e+00 : f32
    %broadcast_in_dim3A_19 = vector.broadcast %broadcast_in_dim3A_18 : f32 to vector<16x512xf32>
    %broadcast_in_dim3A_20 = arith.constant 0.000000e+00 : f32
    %broadcast_in_dim3A_21 = vector.broadcast %broadcast_in_dim3A_20 : f32 to vector<16x512xf32>
    %broadcast_in_dim3A_22 = arith.constant 0.000000e+00 : f32
    %broadcast_in_dim3A_23 = vector.broadcast %broadcast_in_dim3A_22 : f32 to vector<16x512xf32>
    %scan3A = arith.constant 0 : i32
    %scan3A_24 = arith.constant 512 : i32
    %scan3A_25 = arith.addi %scan3A, %scan3A_24 : i32
    %scan3A_26 = arith.constant 1 : i32
    %scan3A_27:5 = scf.for %scan3A_37 = %scan3A to %scan3A_25 step %scan3A_26 iter_args(%scan3A_38 = %broadcast_in_dim3A_15, %scan3A_39 = %broadcast_in_dim3A_17, %scan3A_40 = %broadcast_in_dim3A_19, %scan3A_41 = %broadcast_in_dim3A_21, %scan3A_42 = %broadcast_in_dim3A_23) -> (vector<16x8192xf32>, vector<16xi32>, vector<16x512xf32>, vector<16x512xf32>, vector<16x512xf32>)  : i32 {
      %broadcast_in_dim3A_43 = vector.shape_cast %scan3A_39 : vector<16xi32> to vector<16x1xi32>
      %eq3A = vector.broadcast %broadcast_in_dim3A_43 : vector<16x1xi32> to vector<16x8192xi32>
      %eq3A_44 = arith.cmpi eq, %iota3A, %eq3A : vector<16x8192xi32>
      %jit3A = arith.constant 0.000000e+00 : f32
      %broadcast_in_dim3A_45 = vector.broadcast %jit3A : f32 to vector<16x8192xf32>
      %select_n3A = arith.select %eq3A_44, %get3A_3, %broadcast_in_dim3A_45 : vector<16x8192xi1>, vector<16x8192xf32>
      %reduce_sum3A = arith.constant dense<0.000000e+00> : vector<16xf32>
      %reduce_sum3A_46 = vector.multi_reduction <add>, %select_n3A, %reduce_sum3A [1] : vector<16x8192xf32> to vector<16xf32>
      %jit3A_47 = arith.constant 0.000000e+00 : f32
      %broadcast_in_dim3A_48 = vector.broadcast %jit3A_47 : f32 to vector<16x8192xf32>
      %select_n3A_49 = arith.select %eq3A_44, %get3A_8, %broadcast_in_dim3A_48 : vector<16x8192xi1>, vector<16x8192xf32>
      %reduce_sum3A_50 = arith.constant dense<0.000000e+00> : vector<16xf32>
      %reduce_sum3A_51 = vector.multi_reduction <add>, %select_n3A_49, %reduce_sum3A_50 [1] : vector<16x8192xf32> to vector<16xf32>
      %jit3A_52 = arith.constant 0.000000e+00 : f32
      %broadcast_in_dim3A_53 = vector.broadcast %jit3A_52 : f32 to vector<16x8192xf32>
      %select_n3A_54 = arith.select %eq3A_44, %get3A_13, %broadcast_in_dim3A_53 : vector<16x8192xi1>, vector<16x8192xf32>
      %reduce_sum3A_55 = arith.constant dense<0.000000e+00> : vector<16xf32>
      %reduce_sum3A_56 = vector.multi_reduction <add>, %select_n3A_54, %reduce_sum3A_55 [1] : vector<16x8192xf32> to vector<16xf32>
      %eq3A_57 = vector.broadcast %scan3A_37 : i32 to vector<16x512xi32>
      %eq3A_58 = arith.cmpi eq, %iota3A_14, %eq3A_57 : vector<16x512xi32>
      %broadcast_in_dim3A_59 = vector.shape_cast %reduce_sum3A_46 : vector<16xf32> to vector<16x1xf32>
      %broadcast_in_dim3A_60 = vector.shape_cast %broadcast_in_dim3A_59 : vector<16x1xf32> to vector<16x1xf32>
      %broadcast_in_dim3A_61 = vector.broadcast %broadcast_in_dim3A_60 : vector<16x1xf32> to vector<16x512xf32>
      %select_n3A_62 = arith.select %eq3A_58, %broadcast_in_dim3A_61, %scan3A_40 : vector<16x512xi1>, vector<16x512xf32>
      %eq3A_63 = vector.broadcast %scan3A_37 : i32 to vector<16x512xi32>
      %eq3A_64 = arith.cmpi eq, %iota3A_14, %eq3A_63 : vector<16x512xi32>
      %broadcast_in_dim3A_65 = vector.shape_cast %reduce_sum3A_51 : vector<16xf32> to vector<16x1xf32>
      %broadcast_in_dim3A_66 = vector.shape_cast %broadcast_in_dim3A_65 : vector<16x1xf32> to vector<16x1xf32>
      %broadcast_in_dim3A_67 = vector.broadcast %broadcast_in_dim3A_66 : vector<16x1xf32> to vector<16x512xf32>
      %select_n3A_68 = arith.select %eq3A_64, %broadcast_in_dim3A_67, %scan3A_41 : vector<16x512xi1>, vector<16x512xf32>
      %eq3A_69 = vector.broadcast %scan3A_37 : i32 to vector<16x512xi32>
      %eq3A_70 = arith.cmpi eq, %iota3A_14, %eq3A_69 : vector<16x512xi32>
      %broadcast_in_dim3A_71 = vector.shape_cast %reduce_sum3A_56 : vector<16xf32> to vector<16x1xf32>
      %broadcast_in_dim3A_72 = vector.shape_cast %broadcast_in_dim3A_71 : vector<16x1xf32> to vector<16x1xf32>
      %broadcast_in_dim3A_73 = vector.broadcast %broadcast_in_dim3A_72 : vector<16x1xf32> to vector<16x512xf32>
      %select_n3A_74 = arith.select %eq3A_70, %broadcast_in_dim3A_73, %scan3A_42 : vector<16x512xi1>, vector<16x512xf32>
      %broadcast_in_dim3A_75 = vector.shape_cast %reduce_sum3A_46 : vector<16xf32> to vector<16x1xf32>
      %sub3A = vector.broadcast %broadcast_in_dim3A_75 : vector<16x1xf32> to vector<16x8192xf32>
      %sub3A_76 = arith.subf %get3A_3, %sub3A : vector<16x8192xf32>
      %broadcast_in_dim3A_77 = vector.shape_cast %reduce_sum3A_51 : vector<16xf32> to vector<16x1xf32>
      %sub3A_78 = vector.broadcast %broadcast_in_dim3A_77 : vector<16x1xf32> to vector<16x8192xf32>
      %sub3A_79 = arith.subf %get3A_8, %sub3A_78 : vector<16x8192xf32>
      %broadcast_in_dim3A_80 = vector.shape_cast %reduce_sum3A_56 : vector<16xf32> to vector<16x1xf32>
      %sub3A_81 = vector.broadcast %broadcast_in_dim3A_80 : vector<16x1xf32> to vector<16x8192xf32>
      %sub3A_82 = arith.subf %get3A_13, %sub3A_81 : vector<16x8192xf32>
      %mul3A = arith.mulf %sub3A_76, %sub3A_76 : vector<16x8192xf32>
      %mul3A_83 = arith.mulf %sub3A_79, %sub3A_79 : vector<16x8192xf32>
      %add3A = arith.addf %mul3A, %mul3A_83 : vector<16x8192xf32>
      %mul3A_84 = arith.mulf %sub3A_82, %sub3A_82 : vector<16x8192xf32>
      %add3A_85 = arith.addf %add3A, %mul3A_84 : vector<16x8192xf32>
      %min3A = arith.minimumf %scan3A_38, %add3A_85 : vector<16x8192xf32>
      %reduce_max3A = arith.constant dense<0xFF800000> : vector<16xf32>
      %reduce_max3A_86 = vector.multi_reduction <maximumf>, %min3A, %reduce_max3A [1] : vector<16x8192xf32> to vector<16xf32>
      %broadcast_in_dim3A_87 = vector.shape_cast %reduce_max3A_86 : vector<16xf32> to vector<16x1xf32>
      %eq3A_88 = vector.broadcast %broadcast_in_dim3A_87 : vector<16x1xf32> to vector<16x8192xf32>
      %eq3A_89 = arith.cmpf oeq, %min3A, %eq3A_88 : vector<16x8192xf32>
      %jit3A_90 = arith.constant 8192 : i32
      %broadcast_in_dim3A_91 = vector.broadcast %jit3A_90 : i32 to vector<16x8192xi32>
      %select_n3A_92 = arith.select %eq3A_89, %iota3A, %broadcast_in_dim3A_91 : vector<16x8192xi1>, vector<16x8192xi32>
      %reduce_min3A = arith.constant dense<2147483647> : vector<16xi32>
      %reduce_min3A_93 = vector.multi_reduction <minsi>, %select_n3A_92, %reduce_min3A [1] : vector<16x8192xi32> to vector<16xi32>
      scf.yield %min3A, %reduce_min3A_93, %select_n3A_62, %select_n3A_68, %select_n3A_74 : vector<16x8192xf32>, vector<16xi32>, vector<16x512xf32>, vector<16x512xf32>, vector<16x512xf32>
    }
    %scan3A_28 = arith.constant 512 : i32
    %swap3A = arith.constant 0 : index
    %swap3A_29 = arith.constant 0 : index
    %swap3A_30 = vector.load %arg3[%swap3A, %swap3A_29] : memref<16x512xf32, #tpu.memory_space<vmem>>, vector<16x512xf32>
    tpu.vector_store %arg3[%swap3A, %swap3A_29], %scan3A_27#2 {strides = array<i32>} : memref<16x512xf32, #tpu.memory_space<vmem>>, vector<16x512xf32>,
    %swap3A_31 = arith.constant 0 : index
    %swap3A_32 = arith.constant 0 : index
    %swap3A_33 = vector.load %arg4[%swap3A_31, %swap3A_32] : memref<16x512xf32, #tpu.memory_space<vmem>>, vector<16x512xf32>
    tpu.vector_store %arg4[%swap3A_31, %swap3A_32], %scan3A_27#3 {strides = array<i32>} : memref<16x512xf32, #tpu.memory_space<vmem>>, vector<16x512xf32>,
    %swap3A_34 = arith.constant 0 : index
    %swap3A_35 = arith.constant 0 : index
    %swap3A_36 = vector.load %arg5[%swap3A_34, %swap3A_35] : memref<16x512xf32, #tpu.memory_space<vmem>>, vector<16x512xf32>
    tpu.vector_store %arg5[%swap3A_34, %swap3A_35], %scan3A_27#4 {strides = array<i32>} : memref<16x512xf32, #tpu.memory_space<vmem>>, vector<16x512xf32>,
    return
  }
}

module attributes {stable_mosaic.version = 14 : i64} {
  func.func @_knn_body(%arg0: i32, %arg1: i32, %arg2: memref<1x1x8192xf32, #tpu.memory_space<vmem>>, %arg3: memref<1x1x8192xf32, #tpu.memory_space<vmem>>, %arg4: memref<1x1x8192xf32, #tpu.memory_space<vmem>>, %arg5: memref<1x1x128x1xf32, #tpu.memory_space<vmem>>, %arg6: memref<1x1x128x1xf32, #tpu.memory_space<vmem>>, %arg7: memref<1x1x128x1xf32, #tpu.memory_space<vmem>>, %arg8: memref<1x1x8192xf32, #tpu.memory_space<vmem>>, %arg9: memref<1x1x128x1xf32, #tpu.memory_space<vmem>>, %arg10: memref<1x1x128x32xi32, #tpu.memory_space<vmem>>) attributes {dimension_semantics = [#tpu.dimension_semantics<arbitrary>, #tpu.dimension_semantics<arbitrary>], iteration_bounds = array<i64: 16, 4>, scalar_prefetch = 0 : i64, scratch_operands = 0 : i64, tpu.core_type = #tpu.core_type<tc>, window_params = [{transform_indices = @transform_0, window_bounds = array<i64: 1, 1, 8192>}, {transform_indices = @transform_1, window_bounds = array<i64: 1, 1, 8192>}, {transform_indices = @transform_2, window_bounds = array<i64: 1, 1, 8192>}, {transform_indices = @transform_3, window_bounds = array<i64: 1, 1, 128, 1>}, {transform_indices = @transform_4, window_bounds = array<i64: 1, 1, 128, 1>}, {transform_indices = @transform_5, window_bounds = array<i64: 1, 1, 128, 1>}, {transform_indices = @transform_6, window_bounds = array<i64: 1, 1, 8192>}, {transform_indices = @transform_7, window_bounds = array<i64: 1, 1, 128, 1>}, {transform_indices = @transform_8, window_bounds = array<i64: 1, 1, 128, 32>}]} {
    %get3A = arith.constant 0 : index
    %get3A_0 = arith.constant 0 : index
    %get3A_1 = arith.constant 0 : index
    %get3A_2 = vector.load %arg2[%get3A, %get3A_0, %get3A_1] : memref<1x1x8192xf32, #tpu.memory_space<vmem>>, vector<1x1x8192xf32>
    %get3A_3 = vector.shape_cast %get3A_2 : vector<1x1x8192xf32> to vector<1x8192xf32>
    %get3A_4 = arith.constant 0 : index
    %get3A_5 = arith.constant 0 : index
    %get3A_6 = arith.constant 0 : index
    %get3A_7 = vector.load %arg3[%get3A_4, %get3A_5, %get3A_6] : memref<1x1x8192xf32, #tpu.memory_space<vmem>>, vector<1x1x8192xf32>
    %get3A_8 = vector.shape_cast %get3A_7 : vector<1x1x8192xf32> to vector<1x8192xf32>
    %get3A_9 = arith.constant 0 : index
    %get3A_10 = arith.constant 0 : index
    %get3A_11 = arith.constant 0 : index
    %get3A_12 = vector.load %arg4[%get3A_9, %get3A_10, %get3A_11] : memref<1x1x8192xf32, #tpu.memory_space<vmem>>, vector<1x1x8192xf32>
    %get3A_13 = vector.shape_cast %get3A_12 : vector<1x1x8192xf32> to vector<1x8192xf32>
    %get3A_14 = arith.constant 0 : index
    %get3A_15 = arith.constant 0 : index
    %get3A_16 = arith.constant 0 : index
    %get3A_17 = arith.constant 0 : index
    %get3A_18 = vector.load %arg5[%get3A_14, %get3A_15, %get3A_16, %get3A_17] : memref<1x1x128x1xf32, #tpu.memory_space<vmem>>, vector<1x1x128x1xf32>
    %get3A_19 = vector.shape_cast %get3A_18 : vector<1x1x128x1xf32> to vector<128x1xf32>
    %get3A_20 = arith.constant 0 : index
    %get3A_21 = arith.constant 0 : index
    %get3A_22 = arith.constant 0 : index
    %get3A_23 = arith.constant 0 : index
    %get3A_24 = vector.load %arg6[%get3A_20, %get3A_21, %get3A_22, %get3A_23] : memref<1x1x128x1xf32, #tpu.memory_space<vmem>>, vector<1x1x128x1xf32>
    %get3A_25 = vector.shape_cast %get3A_24 : vector<1x1x128x1xf32> to vector<128x1xf32>
    %get3A_26 = arith.constant 0 : index
    %get3A_27 = arith.constant 0 : index
    %get3A_28 = arith.constant 0 : index
    %get3A_29 = arith.constant 0 : index
    %get3A_30 = vector.load %arg7[%get3A_26, %get3A_27, %get3A_28, %get3A_29] : memref<1x1x128x1xf32, #tpu.memory_space<vmem>>, vector<1x1x128x1xf32>
    %get3A_31 = vector.shape_cast %get3A_30 : vector<1x1x128x1xf32> to vector<128x1xf32>
    %get3A_32 = arith.constant 0 : index
    %get3A_33 = arith.constant 0 : index
    %get3A_34 = arith.constant 0 : index
    %get3A_35 = vector.load %arg8[%get3A_32, %get3A_33, %get3A_34] : memref<1x1x8192xf32, #tpu.memory_space<vmem>>, vector<1x1x8192xf32>
    %get3A_36 = vector.shape_cast %get3A_35 : vector<1x1x8192xf32> to vector<1x8192xf32>
    %get3A_37 = arith.constant 0 : index
    %get3A_38 = arith.constant 0 : index
    %get3A_39 = arith.constant 0 : index
    %get3A_40 = arith.constant 0 : index
    %get3A_41 = vector.load %arg9[%get3A_37, %get3A_38, %get3A_39, %get3A_40] : memref<1x1x128x1xf32, #tpu.memory_space<vmem>>, vector<1x1x128x1xf32>
    %get3A_42 = vector.shape_cast %get3A_41 : vector<1x1x128x1xf32> to vector<128x1xf32>
    %convert_element_type3A = arith.truncf %get3A_19 : vector<128x1xf32> to vector<128x1xbf16>
    %convert_element_type3A_43 = arith.extf %convert_element_type3A : vector<128x1xbf16> to vector<128x1xf32>
    %convert_element_type3A_44 = arith.truncf %get3A_3 : vector<1x8192xf32> to vector<1x8192xbf16>
    %convert_element_type3A_45 = arith.extf %convert_element_type3A_44 : vector<1x8192xbf16> to vector<1x8192xf32>
    %mul3A = vector.broadcast %convert_element_type3A_43 : vector<128x1xf32> to vector<128x8192xf32>
    %mul3A_46 = vector.broadcast %convert_element_type3A_45 : vector<1x8192xf32> to vector<128x8192xf32>
    %mul3A_47 = arith.mulf %mul3A, %mul3A_46 : vector<128x8192xf32>
    %convert_element_type3A_48 = arith.truncf %get3A_25 : vector<128x1xf32> to vector<128x1xbf16>
    %convert_element_type3A_49 = arith.extf %convert_element_type3A_48 : vector<128x1xbf16> to vector<128x1xf32>
    %convert_element_type3A_50 = arith.truncf %get3A_8 : vector<1x8192xf32> to vector<1x8192xbf16>
    %convert_element_type3A_51 = arith.extf %convert_element_type3A_50 : vector<1x8192xbf16> to vector<1x8192xf32>
    %mul3A_52 = vector.broadcast %convert_element_type3A_49 : vector<128x1xf32> to vector<128x8192xf32>
    %mul3A_53 = vector.broadcast %convert_element_type3A_51 : vector<1x8192xf32> to vector<128x8192xf32>
    %mul3A_54 = arith.mulf %mul3A_52, %mul3A_53 : vector<128x8192xf32>
    %add3A = arith.addf %mul3A_47, %mul3A_54 : vector<128x8192xf32>
    %convert_element_type3A_55 = arith.truncf %get3A_31 : vector<128x1xf32> to vector<128x1xbf16>
    %convert_element_type3A_56 = arith.extf %convert_element_type3A_55 : vector<128x1xbf16> to vector<128x1xf32>
    %convert_element_type3A_57 = arith.truncf %get3A_13 : vector<1x8192xf32> to vector<1x8192xbf16>
    %convert_element_type3A_58 = arith.extf %convert_element_type3A_57 : vector<1x8192xbf16> to vector<1x8192xf32>
    %mul3A_59 = vector.broadcast %convert_element_type3A_56 : vector<128x1xf32> to vector<128x8192xf32>
    %mul3A_60 = vector.broadcast %convert_element_type3A_58 : vector<1x8192xf32> to vector<128x8192xf32>
    %mul3A_61 = arith.mulf %mul3A_59, %mul3A_60 : vector<128x8192xf32>
    %add3A_62 = arith.addf %add3A, %mul3A_61 : vector<128x8192xf32>
    %mul3A_63 = arith.constant -2.000000e+00 : f32
    %mul3A_64 = vector.broadcast %mul3A_63 : f32 to vector<128x8192xf32>
    %mul3A_65 = arith.mulf %mul3A_64, %add3A_62 : vector<128x8192xf32>
    %add3A_66 = vector.broadcast %get3A_42 : vector<128x1xf32> to vector<128x8192xf32>
    %add3A_67 = arith.addf %mul3A_65, %add3A_66 : vector<128x8192xf32>
    %add3A_68 = vector.broadcast %get3A_36 : vector<1x8192xf32> to vector<128x8192xf32>
    %add3A_69 = arith.addf %add3A_67, %add3A_68 : vector<128x8192xf32>
    %iota3A = tpu.iota {dimensions = array<i32: 1>} : vector<128x8192xi32>
    %iota3A_70 = tpu.iota {dimensions = array<i32: 1>} : vector<128x32xi32>
    %broadcast_in_dim3A = arith.constant 0 : i32
    %broadcast_in_dim3A_71 = vector.broadcast %broadcast_in_dim3A : i32 to vector<128x32xi32>
    %reduce_min3A = arith.constant dense<0x7F800000> : vector<128xf32>
    %reduce_min3A_72 = vector.multi_reduction <minimumf>, %add3A_69, %reduce_min3A [1] : vector<128x8192xf32> to vector<128xf32>
    %broadcast_in_dim3A_73 = vector.shape_cast %reduce_min3A_72 : vector<128xf32> to vector<128x1xf32>
    %eq3A = vector.broadcast %broadcast_in_dim3A_73 : vector<128x1xf32> to vector<128x8192xf32>
    %eq3A_74 = arith.cmpf oeq, %add3A_69, %eq3A : vector<128x8192xf32>
    %jit3A = arith.constant 8192 : i32
    %broadcast_in_dim3A_75 = vector.broadcast %jit3A : i32 to vector<128x8192xi32>
    %select_n3A = arith.select %eq3A_74, %iota3A, %broadcast_in_dim3A_75 : vector<128x8192xi1>, vector<128x8192xi32>
    %reduce_min3A_76 = arith.constant dense<2147483647> : vector<128xi32>
    %reduce_min3A_77 = vector.multi_reduction <minsi>, %select_n3A, %reduce_min3A_76 [1] : vector<128x8192xi32> to vector<128xi32>
    %eq3A_78 = arith.constant 0 : i32
    %eq3A_79 = vector.broadcast %eq3A_78 : i32 to vector<128x32xi32>
    %eq3A_80 = arith.cmpi eq, %iota3A_70, %eq3A_79 : vector<128x32xi32>
    %broadcast_in_dim3A_81 = vector.shape_cast %reduce_min3A_77 : vector<128xi32> to vector<128x1xi32>
    %broadcast_in_dim3A_82 = vector.shape_cast %broadcast_in_dim3A_81 : vector<128x1xi32> to vector<128x1xi32>
    %broadcast_in_dim3A_83 = vector.broadcast %broadcast_in_dim3A_82 : vector<128x1xi32> to vector<128x32xi32>
    %select_n3A_84 = arith.select %eq3A_80, %broadcast_in_dim3A_83, %broadcast_in_dim3A_71 : vector<128x32xi1>, vector<128x32xi32>
    %broadcast_in_dim3A_85 = vector.shape_cast %reduce_min3A_77 : vector<128xi32> to vector<128x1xi32>
    %eq3A_86 = vector.broadcast %broadcast_in_dim3A_85 : vector<128x1xi32> to vector<128x8192xi32>
    %eq3A_87 = arith.cmpi eq, %iota3A, %eq3A_86 : vector<128x8192xi32>
    %jit3A_88 = arith.constant 0x7F800000 : f32
    %broadcast_in_dim3A_89 = vector.broadcast %jit3A_88 : f32 to vector<128x8192xf32>
    %select_n3A_90 = arith.select %eq3A_87, %broadcast_in_dim3A_89, %add3A_69 : vector<128x8192xi1>, vector<128x8192xf32>
    %reduce_min3A_91 = arith.constant dense<0x7F800000> : vector<128xf32>
    %reduce_min3A_92 = vector.multi_reduction <minimumf>, %select_n3A_90, %reduce_min3A_91 [1] : vector<128x8192xf32> to vector<128xf32>
    %broadcast_in_dim3A_93 = vector.shape_cast %reduce_min3A_92 : vector<128xf32> to vector<128x1xf32>
    %eq3A_94 = vector.broadcast %broadcast_in_dim3A_93 : vector<128x1xf32> to vector<128x8192xf32>
    %eq3A_95 = arith.cmpf oeq, %select_n3A_90, %eq3A_94 : vector<128x8192xf32>
    %jit3A_96 = arith.constant 8192 : i32
    %broadcast_in_dim3A_97 = vector.broadcast %jit3A_96 : i32 to vector<128x8192xi32>
    %select_n3A_98 = arith.select %eq3A_95, %iota3A, %broadcast_in_dim3A_97 : vector<128x8192xi1>, vector<128x8192xi32>
    %reduce_min3A_99 = arith.constant dense<2147483647> : vector<128xi32>
    %reduce_min3A_100 = vector.multi_reduction <minsi>, %select_n3A_98, %reduce_min3A_99 [1] : vector<128x8192xi32> to vector<128xi32>
    %eq3A_101 = arith.constant 1 : i32
    %eq3A_102 = vector.broadcast %eq3A_101 : i32 to vector<128x32xi32>
    %eq3A_103 = arith.cmpi eq, %iota3A_70, %eq3A_102 : vector<128x32xi32>
    %broadcast_in_dim3A_104 = vector.shape_cast %reduce_min3A_100 : vector<128xi32> to vector<128x1xi32>
    %broadcast_in_dim3A_105 = vector.shape_cast %broadcast_in_dim3A_104 : vector<128x1xi32> to vector<128x1xi32>
    %broadcast_in_dim3A_106 = vector.broadcast %broadcast_in_dim3A_105 : vector<128x1xi32> to vector<128x32xi32>
    %select_n3A_107 = arith.select %eq3A_103, %broadcast_in_dim3A_106, %select_n3A_84 : vector<128x32xi1>, vector<128x32xi32>
    %broadcast_in_dim3A_108 = vector.shape_cast %reduce_min3A_100 : vector<128xi32> to vector<128x1xi32>
    %eq3A_109 = vector.broadcast %broadcast_in_dim3A_108 : vector<128x1xi32> to vector<128x8192xi32>
    %eq3A_110 = arith.cmpi eq, %iota3A, %eq3A_109 : vector<128x8192xi32>
    %jit3A_111 = arith.constant 0x7F800000 : f32
    %broadcast_in_dim3A_112 = vector.broadcast %jit3A_111 : f32 to vector<128x8192xf32>
    %select_n3A_113 = arith.select %eq3A_110, %broadcast_in_dim3A_112, %select_n3A_90 : vector<128x8192xi1>, vector<128x8192xf32>
    %reduce_min3A_114 = arith.constant dense<0x7F800000> : vector<128xf32>
    %reduce_min3A_115 = vector.multi_reduction <minimumf>, %select_n3A_113, %reduce_min3A_114 [1] : vector<128x8192xf32> to vector<128xf32>
    %broadcast_in_dim3A_116 = vector.shape_cast %reduce_min3A_115 : vector<128xf32> to vector<128x1xf32>
    %eq3A_117 = vector.broadcast %broadcast_in_dim3A_116 : vector<128x1xf32> to vector<128x8192xf32>
    %eq3A_118 = arith.cmpf oeq, %select_n3A_113, %eq3A_117 : vector<128x8192xf32>
    %jit3A_119 = arith.constant 8192 : i32
    %broadcast_in_dim3A_120 = vector.broadcast %jit3A_119 : i32 to vector<128x8192xi32>
    %select_n3A_121 = arith.select %eq3A_118, %iota3A, %broadcast_in_dim3A_120 : vector<128x8192xi1>, vector<128x8192xi32>
    %reduce_min3A_122 = arith.constant dense<2147483647> : vector<128xi32>
    %reduce_min3A_123 = vector.multi_reduction <minsi>, %select_n3A_121, %reduce_min3A_122 [1] : vector<128x8192xi32> to vector<128xi32>
    %eq3A_124 = arith.constant 2 : i32
    %eq3A_125 = vector.broadcast %eq3A_124 : i32 to vector<128x32xi32>
    %eq3A_126 = arith.cmpi eq, %iota3A_70, %eq3A_125 : vector<128x32xi32>
    %broadcast_in_dim3A_127 = vector.shape_cast %reduce_min3A_123 : vector<128xi32> to vector<128x1xi32>
    %broadcast_in_dim3A_128 = vector.shape_cast %broadcast_in_dim3A_127 : vector<128x1xi32> to vector<128x1xi32>
    %broadcast_in_dim3A_129 = vector.broadcast %broadcast_in_dim3A_128 : vector<128x1xi32> to vector<128x32xi32>
    %select_n3A_130 = arith.select %eq3A_126, %broadcast_in_dim3A_129, %select_n3A_107 : vector<128x32xi1>, vector<128x32xi32>
    %broadcast_in_dim3A_131 = vector.shape_cast %reduce_min3A_123 : vector<128xi32> to vector<128x1xi32>
    %eq3A_132 = vector.broadcast %broadcast_in_dim3A_131 : vector<128x1xi32> to vector<128x8192xi32>
    %eq3A_133 = arith.cmpi eq, %iota3A, %eq3A_132 : vector<128x8192xi32>
    %jit3A_134 = arith.constant 0x7F800000 : f32
    %broadcast_in_dim3A_135 = vector.broadcast %jit3A_134 : f32 to vector<128x8192xf32>
    %select_n3A_136 = arith.select %eq3A_133, %broadcast_in_dim3A_135, %select_n3A_113 : vector<128x8192xi1>, vector<128x8192xf32>
    %reduce_min3A_137 = arith.constant dense<0x7F800000> : vector<128xf32>
    %reduce_min3A_138 = vector.multi_reduction <minimumf>, %select_n3A_136, %reduce_min3A_137 [1] : vector<128x8192xf32> to vector<128xf32>
    %broadcast_in_dim3A_139 = vector.shape_cast %reduce_min3A_138 : vector<128xf32> to vector<128x1xf32>
    %eq3A_140 = vector.broadcast %broadcast_in_dim3A_139 : vector<128x1xf32> to vector<128x8192xf32>
    %eq3A_141 = arith.cmpf oeq, %select_n3A_136, %eq3A_140 : vector<128x8192xf32>
    %jit3A_142 = arith.constant 8192 : i32
    %broadcast_in_dim3A_143 = vector.broadcast %jit3A_142 : i32 to vector<128x8192xi32>
    %select_n3A_144 = arith.select %eq3A_141, %iota3A, %broadcast_in_dim3A_143 : vector<128x8192xi1>, vector<128x8192xi32>
    %reduce_min3A_145 = arith.constant dense<2147483647> : vector<128xi32>
    %reduce_min3A_146 = vector.multi_reduction <minsi>, %select_n3A_144, %reduce_min3A_145 [1] : vector<128x8192xi32> to vector<128xi32>
    %eq3A_147 = arith.constant 3 : i32
    %eq3A_148 = vector.broadcast %eq3A_147 : i32 to vector<128x32xi32>
    %eq3A_149 = arith.cmpi eq, %iota3A_70, %eq3A_148 : vector<128x32xi32>
    %broadcast_in_dim3A_150 = vector.shape_cast %reduce_min3A_146 : vector<128xi32> to vector<128x1xi32>
    %broadcast_in_dim3A_151 = vector.shape_cast %broadcast_in_dim3A_150 : vector<128x1xi32> to vector<128x1xi32>
    %broadcast_in_dim3A_152 = vector.broadcast %broadcast_in_dim3A_151 : vector<128x1xi32> to vector<128x32xi32>
    %select_n3A_153 = arith.select %eq3A_149, %broadcast_in_dim3A_152, %select_n3A_130 : vector<128x32xi1>, vector<128x32xi32>
    %broadcast_in_dim3A_154 = vector.shape_cast %reduce_min3A_146 : vector<128xi32> to vector<128x1xi32>
    %eq3A_155 = vector.broadcast %broadcast_in_dim3A_154 : vector<128x1xi32> to vector<128x8192xi32>
    %eq3A_156 = arith.cmpi eq, %iota3A, %eq3A_155 : vector<128x8192xi32>
    %jit3A_157 = arith.constant 0x7F800000 : f32
    %broadcast_in_dim3A_158 = vector.broadcast %jit3A_157 : f32 to vector<128x8192xf32>
    %select_n3A_159 = arith.select %eq3A_156, %broadcast_in_dim3A_158, %select_n3A_136 : vector<128x8192xi1>, vector<128x8192xf32>
    %reduce_min3A_160 = arith.constant dense<0x7F800000> : vector<128xf32>
    %reduce_min3A_161 = vector.multi_reduction <minimumf>, %select_n3A_159, %reduce_min3A_160 [1] : vector<128x8192xf32> to vector<128xf32>
    %broadcast_in_dim3A_162 = vector.shape_cast %reduce_min3A_161 : vector<128xf32> to vector<128x1xf32>
    %eq3A_163 = vector.broadcast %broadcast_in_dim3A_162 : vector<128x1xf32> to vector<128x8192xf32>
    %eq3A_164 = arith.cmpf oeq, %select_n3A_159, %eq3A_163 : vector<128x8192xf32>
    %jit3A_165 = arith.constant 8192 : i32
    %broadcast_in_dim3A_166 = vector.broadcast %jit3A_165 : i32 to vector<128x8192xi32>
    %select_n3A_167 = arith.select %eq3A_164, %iota3A, %broadcast_in_dim3A_166 : vector<128x8192xi1>, vector<128x8192xi32>
    %reduce_min3A_168 = arith.constant dense<2147483647> : vector<128xi32>
    %reduce_min3A_169 = vector.multi_reduction <minsi>, %select_n3A_167, %reduce_min3A_168 [1] : vector<128x8192xi32> to vector<128xi32>
    %eq3A_170 = arith.constant 4 : i32
    %eq3A_171 = vector.broadcast %eq3A_170 : i32 to vector<128x32xi32>
    %eq3A_172 = arith.cmpi eq, %iota3A_70, %eq3A_171 : vector<128x32xi32>
    %broadcast_in_dim3A_173 = vector.shape_cast %reduce_min3A_169 : vector<128xi32> to vector<128x1xi32>
    %broadcast_in_dim3A_174 = vector.shape_cast %broadcast_in_dim3A_173 : vector<128x1xi32> to vector<128x1xi32>
    %broadcast_in_dim3A_175 = vector.broadcast %broadcast_in_dim3A_174 : vector<128x1xi32> to vector<128x32xi32>
    %select_n3A_176 = arith.select %eq3A_172, %broadcast_in_dim3A_175, %select_n3A_153 : vector<128x32xi1>, vector<128x32xi32>
    %broadcast_in_dim3A_177 = vector.shape_cast %reduce_min3A_169 : vector<128xi32> to vector<128x1xi32>
    %eq3A_178 = vector.broadcast %broadcast_in_dim3A_177 : vector<128x1xi32> to vector<128x8192xi32>
    %eq3A_179 = arith.cmpi eq, %iota3A, %eq3A_178 : vector<128x8192xi32>
    %jit3A_180 = arith.constant 0x7F800000 : f32
    %broadcast_in_dim3A_181 = vector.broadcast %jit3A_180 : f32 to vector<128x8192xf32>
    %select_n3A_182 = arith.select %eq3A_179, %broadcast_in_dim3A_181, %select_n3A_159 : vector<128x8192xi1>, vector<128x8192xf32>
    %reduce_min3A_183 = arith.constant dense<0x7F800000> : vector<128xf32>
    %reduce_min3A_184 = vector.multi_reduction <minimumf>, %select_n3A_182, %reduce_min3A_183 [1] : vector<128x8192xf32> to vector<128xf32>
    %broadcast_in_dim3A_185 = vector.shape_cast %reduce_min3A_184 : vector<128xf32> to vector<128x1xf32>
    %eq3A_186 = vector.broadcast %broadcast_in_dim3A_185 : vector<128x1xf32> to vector<128x8192xf32>
    %eq3A_187 = arith.cmpf oeq, %select_n3A_182, %eq3A_186 : vector<128x8192xf32>
    %jit3A_188 = arith.constant 8192 : i32
    %broadcast_in_dim3A_189 = vector.broadcast %jit3A_188 : i32 to vector<128x8192xi32>
    %select_n3A_190 = arith.select %eq3A_187, %iota3A, %broadcast_in_dim3A_189 : vector<128x8192xi1>, vector<128x8192xi32>
    %reduce_min3A_191 = arith.constant dense<2147483647> : vector<128xi32>
    %reduce_min3A_192 = vector.multi_reduction <minsi>, %select_n3A_190, %reduce_min3A_191 [1] : vector<128x8192xi32> to vector<128xi32>
    %eq3A_193 = arith.constant 5 : i32
    %eq3A_194 = vector.broadcast %eq3A_193 : i32 to vector<128x32xi32>
    %eq3A_195 = arith.cmpi eq, %iota3A_70, %eq3A_194 : vector<128x32xi32>
    %broadcast_in_dim3A_196 = vector.shape_cast %reduce_min3A_192 : vector<128xi32> to vector<128x1xi32>
    %broadcast_in_dim3A_197 = vector.shape_cast %broadcast_in_dim3A_196 : vector<128x1xi32> to vector<128x1xi32>
    %broadcast_in_dim3A_198 = vector.broadcast %broadcast_in_dim3A_197 : vector<128x1xi32> to vector<128x32xi32>
    %select_n3A_199 = arith.select %eq3A_195, %broadcast_in_dim3A_198, %select_n3A_176 : vector<128x32xi1>, vector<128x32xi32>
    %broadcast_in_dim3A_200 = vector.shape_cast %reduce_min3A_192 : vector<128xi32> to vector<128x1xi32>
    %eq3A_201 = vector.broadcast %broadcast_in_dim3A_200 : vector<128x1xi32> to vector<128x8192xi32>
    %eq3A_202 = arith.cmpi eq, %iota3A, %eq3A_201 : vector<128x8192xi32>
    %jit3A_203 = arith.constant 0x7F800000 : f32
    %broadcast_in_dim3A_204 = vector.broadcast %jit3A_203 : f32 to vector<128x8192xf32>
    %select_n3A_205 = arith.select %eq3A_202, %broadcast_in_dim3A_204, %select_n3A_182 : vector<128x8192xi1>, vector<128x8192xf32>
    %reduce_min3A_206 = arith.constant dense<0x7F800000> : vector<128xf32>
    %reduce_min3A_207 = vector.multi_reduction <minimumf>, %select_n3A_205, %reduce_min3A_206 [1] : vector<128x8192xf32> to vector<128xf32>
    %broadcast_in_dim3A_208 = vector.shape_cast %reduce_min3A_207 : vector<128xf32> to vector<128x1xf32>
    %eq3A_209 = vector.broadcast %broadcast_in_dim3A_208 : vector<128x1xf32> to vector<128x8192xf32>
    %eq3A_210 = arith.cmpf oeq, %select_n3A_205, %eq3A_209 : vector<128x8192xf32>
    %jit3A_211 = arith.constant 8192 : i32
    %broadcast_in_dim3A_212 = vector.broadcast %jit3A_211 : i32 to vector<128x8192xi32>
    %select_n3A_213 = arith.select %eq3A_210, %iota3A, %broadcast_in_dim3A_212 : vector<128x8192xi1>, vector<128x8192xi32>
    %reduce_min3A_214 = arith.constant dense<2147483647> : vector<128xi32>
    %reduce_min3A_215 = vector.multi_reduction <minsi>, %select_n3A_213, %reduce_min3A_214 [1] : vector<128x8192xi32> to vector<128xi32>
    %eq3A_216 = arith.constant 6 : i32
    %eq3A_217 = vector.broadcast %eq3A_216 : i32 to vector<128x32xi32>
    %eq3A_218 = arith.cmpi eq, %iota3A_70, %eq3A_217 : vector<128x32xi32>
    %broadcast_in_dim3A_219 = vector.shape_cast %reduce_min3A_215 : vector<128xi32> to vector<128x1xi32>
    %broadcast_in_dim3A_220 = vector.shape_cast %broadcast_in_dim3A_219 : vector<128x1xi32> to vector<128x1xi32>
    %broadcast_in_dim3A_221 = vector.broadcast %broadcast_in_dim3A_220 : vector<128x1xi32> to vector<128x32xi32>
    %select_n3A_222 = arith.select %eq3A_218, %broadcast_in_dim3A_221, %select_n3A_199 : vector<128x32xi1>, vector<128x32xi32>
    %broadcast_in_dim3A_223 = vector.shape_cast %reduce_min3A_215 : vector<128xi32> to vector<128x1xi32>
    %eq3A_224 = vector.broadcast %broadcast_in_dim3A_223 : vector<128x1xi32> to vector<128x8192xi32>
    %eq3A_225 = arith.cmpi eq, %iota3A, %eq3A_224 : vector<128x8192xi32>
    %jit3A_226 = arith.constant 0x7F800000 : f32
    %broadcast_in_dim3A_227 = vector.broadcast %jit3A_226 : f32 to vector<128x8192xf32>
    %select_n3A_228 = arith.select %eq3A_225, %broadcast_in_dim3A_227, %select_n3A_205 : vector<128x8192xi1>, vector<128x8192xf32>
    %reduce_min3A_229 = arith.constant dense<0x7F800000> : vector<128xf32>
    %reduce_min3A_230 = vector.multi_reduction <minimumf>, %select_n3A_228, %reduce_min3A_229 [1] : vector<128x8192xf32> to vector<128xf32>
    %broadcast_in_dim3A_231 = vector.shape_cast %reduce_min3A_230 : vector<128xf32> to vector<128x1xf32>
    %eq3A_232 = vector.broadcast %broadcast_in_dim3A_231 : vector<128x1xf32> to vector<128x8192xf32>
    %eq3A_233 = arith.cmpf oeq, %select_n3A_228, %eq3A_232 : vector<128x8192xf32>
    %jit3A_234 = arith.constant 8192 : i32
    %broadcast_in_dim3A_235 = vector.broadcast %jit3A_234 : i32 to vector<128x8192xi32>
    %select_n3A_236 = arith.select %eq3A_233, %iota3A, %broadcast_in_dim3A_235 : vector<128x8192xi1>, vector<128x8192xi32>
    %reduce_min3A_237 = arith.constant dense<2147483647> : vector<128xi32>
    %reduce_min3A_238 = vector.multi_reduction <minsi>, %select_n3A_236, %reduce_min3A_237 [1] : vector<128x8192xi32> to vector<128xi32>
    %eq3A_239 = arith.constant 7 : i32
    %eq3A_240 = vector.broadcast %eq3A_239 : i32 to vector<128x32xi32>
    %eq3A_241 = arith.cmpi eq, %iota3A_70, %eq3A_240 : vector<128x32xi32>
    %broadcast_in_dim3A_242 = vector.shape_cast %reduce_min3A_238 : vector<128xi32> to vector<128x1xi32>
    %broadcast_in_dim3A_243 = vector.shape_cast %broadcast_in_dim3A_242 : vector<128x1xi32> to vector<128x1xi32>
    %broadcast_in_dim3A_244 = vector.broadcast %broadcast_in_dim3A_243 : vector<128x1xi32> to vector<128x32xi32>
    %select_n3A_245 = arith.select %eq3A_241, %broadcast_in_dim3A_244, %select_n3A_222 : vector<128x32xi1>, vector<128x32xi32>
    %broadcast_in_dim3A_246 = vector.shape_cast %reduce_min3A_238 : vector<128xi32> to vector<128x1xi32>
    %eq3A_247 = vector.broadcast %broadcast_in_dim3A_246 : vector<128x1xi32> to vector<128x8192xi32>
    %eq3A_248 = arith.cmpi eq, %iota3A, %eq3A_247 : vector<128x8192xi32>
    %jit3A_249 = arith.constant 0x7F800000 : f32
    %broadcast_in_dim3A_250 = vector.broadcast %jit3A_249 : f32 to vector<128x8192xf32>
    %select_n3A_251 = arith.select %eq3A_248, %broadcast_in_dim3A_250, %select_n3A_228 : vector<128x8192xi1>, vector<128x8192xf32>
    %reduce_min3A_252 = arith.constant dense<0x7F800000> : vector<128xf32>
    %reduce_min3A_253 = vector.multi_reduction <minimumf>, %select_n3A_251, %reduce_min3A_252 [1] : vector<128x8192xf32> to vector<128xf32>
    %broadcast_in_dim3A_254 = vector.shape_cast %reduce_min3A_253 : vector<128xf32> to vector<128x1xf32>
    %eq3A_255 = vector.broadcast %broadcast_in_dim3A_254 : vector<128x1xf32> to vector<128x8192xf32>
    %eq3A_256 = arith.cmpf oeq, %select_n3A_251, %eq3A_255 : vector<128x8192xf32>
    %jit3A_257 = arith.constant 8192 : i32
    %broadcast_in_dim3A_258 = vector.broadcast %jit3A_257 : i32 to vector<128x8192xi32>
    %select_n3A_259 = arith.select %eq3A_256, %iota3A, %broadcast_in_dim3A_258 : vector<128x8192xi1>, vector<128x8192xi32>
    %reduce_min3A_260 = arith.constant dense<2147483647> : vector<128xi32>
    %reduce_min3A_261 = vector.multi_reduction <minsi>, %select_n3A_259, %reduce_min3A_260 [1] : vector<128x8192xi32> to vector<128xi32>
    %eq3A_262 = arith.constant 8 : i32
    %eq3A_263 = vector.broadcast %eq3A_262 : i32 to vector<128x32xi32>
    %eq3A_264 = arith.cmpi eq, %iota3A_70, %eq3A_263 : vector<128x32xi32>
    %broadcast_in_dim3A_265 = vector.shape_cast %reduce_min3A_261 : vector<128xi32> to vector<128x1xi32>
    %broadcast_in_dim3A_266 = vector.shape_cast %broadcast_in_dim3A_265 : vector<128x1xi32> to vector<128x1xi32>
    %broadcast_in_dim3A_267 = vector.broadcast %broadcast_in_dim3A_266 : vector<128x1xi32> to vector<128x32xi32>
    %select_n3A_268 = arith.select %eq3A_264, %broadcast_in_dim3A_267, %select_n3A_245 : vector<128x32xi1>, vector<128x32xi32>
    %broadcast_in_dim3A_269 = vector.shape_cast %reduce_min3A_261 : vector<128xi32> to vector<128x1xi32>
    %eq3A_270 = vector.broadcast %broadcast_in_dim3A_269 : vector<128x1xi32> to vector<128x8192xi32>
    %eq3A_271 = arith.cmpi eq, %iota3A, %eq3A_270 : vector<128x8192xi32>
    %jit3A_272 = arith.constant 0x7F800000 : f32
    %broadcast_in_dim3A_273 = vector.broadcast %jit3A_272 : f32 to vector<128x8192xf32>
    %select_n3A_274 = arith.select %eq3A_271, %broadcast_in_dim3A_273, %select_n3A_251 : vector<128x8192xi1>, vector<128x8192xf32>
    %reduce_min3A_275 = arith.constant dense<0x7F800000> : vector<128xf32>
    %reduce_min3A_276 = vector.multi_reduction <minimumf>, %select_n3A_274, %reduce_min3A_275 [1] : vector<128x8192xf32> to vector<128xf32>
    %broadcast_in_dim3A_277 = vector.shape_cast %reduce_min3A_276 : vector<128xf32> to vector<128x1xf32>
    %eq3A_278 = vector.broadcast %broadcast_in_dim3A_277 : vector<128x1xf32> to vector<128x8192xf32>
    %eq3A_279 = arith.cmpf oeq, %select_n3A_274, %eq3A_278 : vector<128x8192xf32>
    %jit3A_280 = arith.constant 8192 : i32
    %broadcast_in_dim3A_281 = vector.broadcast %jit3A_280 : i32 to vector<128x8192xi32>
    %select_n3A_282 = arith.select %eq3A_279, %iota3A, %broadcast_in_dim3A_281 : vector<128x8192xi1>, vector<128x8192xi32>
    %reduce_min3A_283 = arith.constant dense<2147483647> : vector<128xi32>
    %reduce_min3A_284 = vector.multi_reduction <minsi>, %select_n3A_282, %reduce_min3A_283 [1] : vector<128x8192xi32> to vector<128xi32>
    %eq3A_285 = arith.constant 9 : i32
    %eq3A_286 = vector.broadcast %eq3A_285 : i32 to vector<128x32xi32>
    %eq3A_287 = arith.cmpi eq, %iota3A_70, %eq3A_286 : vector<128x32xi32>
    %broadcast_in_dim3A_288 = vector.shape_cast %reduce_min3A_284 : vector<128xi32> to vector<128x1xi32>
    %broadcast_in_dim3A_289 = vector.shape_cast %broadcast_in_dim3A_288 : vector<128x1xi32> to vector<128x1xi32>
    %broadcast_in_dim3A_290 = vector.broadcast %broadcast_in_dim3A_289 : vector<128x1xi32> to vector<128x32xi32>
    %select_n3A_291 = arith.select %eq3A_287, %broadcast_in_dim3A_290, %select_n3A_268 : vector<128x32xi1>, vector<128x32xi32>
    %broadcast_in_dim3A_292 = vector.shape_cast %reduce_min3A_284 : vector<128xi32> to vector<128x1xi32>
    %eq3A_293 = vector.broadcast %broadcast_in_dim3A_292 : vector<128x1xi32> to vector<128x8192xi32>
    %eq3A_294 = arith.cmpi eq, %iota3A, %eq3A_293 : vector<128x8192xi32>
    %jit3A_295 = arith.constant 0x7F800000 : f32
    %broadcast_in_dim3A_296 = vector.broadcast %jit3A_295 : f32 to vector<128x8192xf32>
    %select_n3A_297 = arith.select %eq3A_294, %broadcast_in_dim3A_296, %select_n3A_274 : vector<128x8192xi1>, vector<128x8192xf32>
    %reduce_min3A_298 = arith.constant dense<0x7F800000> : vector<128xf32>
    %reduce_min3A_299 = vector.multi_reduction <minimumf>, %select_n3A_297, %reduce_min3A_298 [1] : vector<128x8192xf32> to vector<128xf32>
    %broadcast_in_dim3A_300 = vector.shape_cast %reduce_min3A_299 : vector<128xf32> to vector<128x1xf32>
    %eq3A_301 = vector.broadcast %broadcast_in_dim3A_300 : vector<128x1xf32> to vector<128x8192xf32>
    %eq3A_302 = arith.cmpf oeq, %select_n3A_297, %eq3A_301 : vector<128x8192xf32>
    %jit3A_303 = arith.constant 8192 : i32
    %broadcast_in_dim3A_304 = vector.broadcast %jit3A_303 : i32 to vector<128x8192xi32>
    %select_n3A_305 = arith.select %eq3A_302, %iota3A, %broadcast_in_dim3A_304 : vector<128x8192xi1>, vector<128x8192xi32>
    %reduce_min3A_306 = arith.constant dense<2147483647> : vector<128xi32>
    %reduce_min3A_307 = vector.multi_reduction <minsi>, %select_n3A_305, %reduce_min3A_306 [1] : vector<128x8192xi32> to vector<128xi32>
    %eq3A_308 = arith.constant 10 : i32
    %eq3A_309 = vector.broadcast %eq3A_308 : i32 to vector<128x32xi32>
    %eq3A_310 = arith.cmpi eq, %iota3A_70, %eq3A_309 : vector<128x32xi32>
    %broadcast_in_dim3A_311 = vector.shape_cast %reduce_min3A_307 : vector<128xi32> to vector<128x1xi32>
    %broadcast_in_dim3A_312 = vector.shape_cast %broadcast_in_dim3A_311 : vector<128x1xi32> to vector<128x1xi32>
    %broadcast_in_dim3A_313 = vector.broadcast %broadcast_in_dim3A_312 : vector<128x1xi32> to vector<128x32xi32>
    %select_n3A_314 = arith.select %eq3A_310, %broadcast_in_dim3A_313, %select_n3A_291 : vector<128x32xi1>, vector<128x32xi32>
    %broadcast_in_dim3A_315 = vector.shape_cast %reduce_min3A_307 : vector<128xi32> to vector<128x1xi32>
    %eq3A_316 = vector.broadcast %broadcast_in_dim3A_315 : vector<128x1xi32> to vector<128x8192xi32>
    %eq3A_317 = arith.cmpi eq, %iota3A, %eq3A_316 : vector<128x8192xi32>
    %jit3A_318 = arith.constant 0x7F800000 : f32
    %broadcast_in_dim3A_319 = vector.broadcast %jit3A_318 : f32 to vector<128x8192xf32>
    %select_n3A_320 = arith.select %eq3A_317, %broadcast_in_dim3A_319, %select_n3A_297 : vector<128x8192xi1>, vector<128x8192xf32>
    %reduce_min3A_321 = arith.constant dense<0x7F800000> : vector<128xf32>
    %reduce_min3A_322 = vector.multi_reduction <minimumf>, %select_n3A_320, %reduce_min3A_321 [1] : vector<128x8192xf32> to vector<128xf32>
    %broadcast_in_dim3A_323 = vector.shape_cast %reduce_min3A_322 : vector<128xf32> to vector<128x1xf32>
    %eq3A_324 = vector.broadcast %broadcast_in_dim3A_323 : vector<128x1xf32> to vector<128x8192xf32>
    %eq3A_325 = arith.cmpf oeq, %select_n3A_320, %eq3A_324 : vector<128x8192xf32>
    %jit3A_326 = arith.constant 8192 : i32
    %broadcast_in_dim3A_327 = vector.broadcast %jit3A_326 : i32 to vector<128x8192xi32>
    %select_n3A_328 = arith.select %eq3A_325, %iota3A, %broadcast_in_dim3A_327 : vector<128x8192xi1>, vector<128x8192xi32>
    %reduce_min3A_329 = arith.constant dense<2147483647> : vector<128xi32>
    %reduce_min3A_330 = vector.multi_reduction <minsi>, %select_n3A_328, %reduce_min3A_329 [1] : vector<128x8192xi32> to vector<128xi32>
    %eq3A_331 = arith.constant 11 : i32
    %eq3A_332 = vector.broadcast %eq3A_331 : i32 to vector<128x32xi32>
    %eq3A_333 = arith.cmpi eq, %iota3A_70, %eq3A_332 : vector<128x32xi32>
    %broadcast_in_dim3A_334 = vector.shape_cast %reduce_min3A_330 : vector<128xi32> to vector<128x1xi32>
    %broadcast_in_dim3A_335 = vector.shape_cast %broadcast_in_dim3A_334 : vector<128x1xi32> to vector<128x1xi32>
    %broadcast_in_dim3A_336 = vector.broadcast %broadcast_in_dim3A_335 : vector<128x1xi32> to vector<128x32xi32>
    %select_n3A_337 = arith.select %eq3A_333, %broadcast_in_dim3A_336, %select_n3A_314 : vector<128x32xi1>, vector<128x32xi32>
    %broadcast_in_dim3A_338 = vector.shape_cast %reduce_min3A_330 : vector<128xi32> to vector<128x1xi32>
    %eq3A_339 = vector.broadcast %broadcast_in_dim3A_338 : vector<128x1xi32> to vector<128x8192xi32>
    %eq3A_340 = arith.cmpi eq, %iota3A, %eq3A_339 : vector<128x8192xi32>
    %jit3A_341 = arith.constant 0x7F800000 : f32
    %broadcast_in_dim3A_342 = vector.broadcast %jit3A_341 : f32 to vector<128x8192xf32>
    %select_n3A_343 = arith.select %eq3A_340, %broadcast_in_dim3A_342, %select_n3A_320 : vector<128x8192xi1>, vector<128x8192xf32>
    %reduce_min3A_344 = arith.constant dense<0x7F800000> : vector<128xf32>
    %reduce_min3A_345 = vector.multi_reduction <minimumf>, %select_n3A_343, %reduce_min3A_344 [1] : vector<128x8192xf32> to vector<128xf32>
    %broadcast_in_dim3A_346 = vector.shape_cast %reduce_min3A_345 : vector<128xf32> to vector<128x1xf32>
    %eq3A_347 = vector.broadcast %broadcast_in_dim3A_346 : vector<128x1xf32> to vector<128x8192xf32>
    %eq3A_348 = arith.cmpf oeq, %select_n3A_343, %eq3A_347 : vector<128x8192xf32>
    %jit3A_349 = arith.constant 8192 : i32
    %broadcast_in_dim3A_350 = vector.broadcast %jit3A_349 : i32 to vector<128x8192xi32>
    %select_n3A_351 = arith.select %eq3A_348, %iota3A, %broadcast_in_dim3A_350 : vector<128x8192xi1>, vector<128x8192xi32>
    %reduce_min3A_352 = arith.constant dense<2147483647> : vector<128xi32>
    %reduce_min3A_353 = vector.multi_reduction <minsi>, %select_n3A_351, %reduce_min3A_352 [1] : vector<128x8192xi32> to vector<128xi32>
    %eq3A_354 = arith.constant 12 : i32
    %eq3A_355 = vector.broadcast %eq3A_354 : i32 to vector<128x32xi32>
    %eq3A_356 = arith.cmpi eq, %iota3A_70, %eq3A_355 : vector<128x32xi32>
    %broadcast_in_dim3A_357 = vector.shape_cast %reduce_min3A_353 : vector<128xi32> to vector<128x1xi32>
    %broadcast_in_dim3A_358 = vector.shape_cast %broadcast_in_dim3A_357 : vector<128x1xi32> to vector<128x1xi32>
    %broadcast_in_dim3A_359 = vector.broadcast %broadcast_in_dim3A_358 : vector<128x1xi32> to vector<128x32xi32>
    %select_n3A_360 = arith.select %eq3A_356, %broadcast_in_dim3A_359, %select_n3A_337 : vector<128x32xi1>, vector<128x32xi32>
    %broadcast_in_dim3A_361 = vector.shape_cast %reduce_min3A_353 : vector<128xi32> to vector<128x1xi32>
    %eq3A_362 = vector.broadcast %broadcast_in_dim3A_361 : vector<128x1xi32> to vector<128x8192xi32>
    %eq3A_363 = arith.cmpi eq, %iota3A, %eq3A_362 : vector<128x8192xi32>
    %jit3A_364 = arith.constant 0x7F800000 : f32
    %broadcast_in_dim3A_365 = vector.broadcast %jit3A_364 : f32 to vector<128x8192xf32>
    %select_n3A_366 = arith.select %eq3A_363, %broadcast_in_dim3A_365, %select_n3A_343 : vector<128x8192xi1>, vector<128x8192xf32>
    %reduce_min3A_367 = arith.constant dense<0x7F800000> : vector<128xf32>
    %reduce_min3A_368 = vector.multi_reduction <minimumf>, %select_n3A_366, %reduce_min3A_367 [1] : vector<128x8192xf32> to vector<128xf32>
    %broadcast_in_dim3A_369 = vector.shape_cast %reduce_min3A_368 : vector<128xf32> to vector<128x1xf32>
    %eq3A_370 = vector.broadcast %broadcast_in_dim3A_369 : vector<128x1xf32> to vector<128x8192xf32>
    %eq3A_371 = arith.cmpf oeq, %select_n3A_366, %eq3A_370 : vector<128x8192xf32>
    %jit3A_372 = arith.constant 8192 : i32
    %broadcast_in_dim3A_373 = vector.broadcast %jit3A_372 : i32 to vector<128x8192xi32>
    %select_n3A_374 = arith.select %eq3A_371, %iota3A, %broadcast_in_dim3A_373 : vector<128x8192xi1>, vector<128x8192xi32>
    %reduce_min3A_375 = arith.constant dense<2147483647> : vector<128xi32>
    %reduce_min3A_376 = vector.multi_reduction <minsi>, %select_n3A_374, %reduce_min3A_375 [1] : vector<128x8192xi32> to vector<128xi32>
    %eq3A_377 = arith.constant 13 : i32
    %eq3A_378 = vector.broadcast %eq3A_377 : i32 to vector<128x32xi32>
    %eq3A_379 = arith.cmpi eq, %iota3A_70, %eq3A_378 : vector<128x32xi32>
    %broadcast_in_dim3A_380 = vector.shape_cast %reduce_min3A_376 : vector<128xi32> to vector<128x1xi32>
    %broadcast_in_dim3A_381 = vector.shape_cast %broadcast_in_dim3A_380 : vector<128x1xi32> to vector<128x1xi32>
    %broadcast_in_dim3A_382 = vector.broadcast %broadcast_in_dim3A_381 : vector<128x1xi32> to vector<128x32xi32>
    %select_n3A_383 = arith.select %eq3A_379, %broadcast_in_dim3A_382, %select_n3A_360 : vector<128x32xi1>, vector<128x32xi32>
    %broadcast_in_dim3A_384 = vector.shape_cast %reduce_min3A_376 : vector<128xi32> to vector<128x1xi32>
    %eq3A_385 = vector.broadcast %broadcast_in_dim3A_384 : vector<128x1xi32> to vector<128x8192xi32>
    %eq3A_386 = arith.cmpi eq, %iota3A, %eq3A_385 : vector<128x8192xi32>
    %jit3A_387 = arith.constant 0x7F800000 : f32
    %broadcast_in_dim3A_388 = vector.broadcast %jit3A_387 : f32 to vector<128x8192xf32>
    %select_n3A_389 = arith.select %eq3A_386, %broadcast_in_dim3A_388, %select_n3A_366 : vector<128x8192xi1>, vector<128x8192xf32>
    %reduce_min3A_390 = arith.constant dense<0x7F800000> : vector<128xf32>
    %reduce_min3A_391 = vector.multi_reduction <minimumf>, %select_n3A_389, %reduce_min3A_390 [1] : vector<128x8192xf32> to vector<128xf32>
    %broadcast_in_dim3A_392 = vector.shape_cast %reduce_min3A_391 : vector<128xf32> to vector<128x1xf32>
    %eq3A_393 = vector.broadcast %broadcast_in_dim3A_392 : vector<128x1xf32> to vector<128x8192xf32>
    %eq3A_394 = arith.cmpf oeq, %select_n3A_389, %eq3A_393 : vector<128x8192xf32>
    %jit3A_395 = arith.constant 8192 : i32
    %broadcast_in_dim3A_396 = vector.broadcast %jit3A_395 : i32 to vector<128x8192xi32>
    %select_n3A_397 = arith.select %eq3A_394, %iota3A, %broadcast_in_dim3A_396 : vector<128x8192xi1>, vector<128x8192xi32>
    %reduce_min3A_398 = arith.constant dense<2147483647> : vector<128xi32>
    %reduce_min3A_399 = vector.multi_reduction <minsi>, %select_n3A_397, %reduce_min3A_398 [1] : vector<128x8192xi32> to vector<128xi32>
    %eq3A_400 = arith.constant 14 : i32
    %eq3A_401 = vector.broadcast %eq3A_400 : i32 to vector<128x32xi32>
    %eq3A_402 = arith.cmpi eq, %iota3A_70, %eq3A_401 : vector<128x32xi32>
    %broadcast_in_dim3A_403 = vector.shape_cast %reduce_min3A_399 : vector<128xi32> to vector<128x1xi32>
    %broadcast_in_dim3A_404 = vector.shape_cast %broadcast_in_dim3A_403 : vector<128x1xi32> to vector<128x1xi32>
    %broadcast_in_dim3A_405 = vector.broadcast %broadcast_in_dim3A_404 : vector<128x1xi32> to vector<128x32xi32>
    %select_n3A_406 = arith.select %eq3A_402, %broadcast_in_dim3A_405, %select_n3A_383 : vector<128x32xi1>, vector<128x32xi32>
    %broadcast_in_dim3A_407 = vector.shape_cast %reduce_min3A_399 : vector<128xi32> to vector<128x1xi32>
    %eq3A_408 = vector.broadcast %broadcast_in_dim3A_407 : vector<128x1xi32> to vector<128x8192xi32>
    %eq3A_409 = arith.cmpi eq, %iota3A, %eq3A_408 : vector<128x8192xi32>
    %jit3A_410 = arith.constant 0x7F800000 : f32
    %broadcast_in_dim3A_411 = vector.broadcast %jit3A_410 : f32 to vector<128x8192xf32>
    %select_n3A_412 = arith.select %eq3A_409, %broadcast_in_dim3A_411, %select_n3A_389 : vector<128x8192xi1>, vector<128x8192xf32>
    %reduce_min3A_413 = arith.constant dense<0x7F800000> : vector<128xf32>
    %reduce_min3A_414 = vector.multi_reduction <minimumf>, %select_n3A_412, %reduce_min3A_413 [1] : vector<128x8192xf32> to vector<128xf32>
    %broadcast_in_dim3A_415 = vector.shape_cast %reduce_min3A_414 : vector<128xf32> to vector<128x1xf32>
    %eq3A_416 = vector.broadcast %broadcast_in_dim3A_415 : vector<128x1xf32> to vector<128x8192xf32>
    %eq3A_417 = arith.cmpf oeq, %select_n3A_412, %eq3A_416 : vector<128x8192xf32>
    %jit3A_418 = arith.constant 8192 : i32
    %broadcast_in_dim3A_419 = vector.broadcast %jit3A_418 : i32 to vector<128x8192xi32>
    %select_n3A_420 = arith.select %eq3A_417, %iota3A, %broadcast_in_dim3A_419 : vector<128x8192xi1>, vector<128x8192xi32>
    %reduce_min3A_421 = arith.constant dense<2147483647> : vector<128xi32>
    %reduce_min3A_422 = vector.multi_reduction <minsi>, %select_n3A_420, %reduce_min3A_421 [1] : vector<128x8192xi32> to vector<128xi32>
    %eq3A_423 = arith.constant 15 : i32
    %eq3A_424 = vector.broadcast %eq3A_423 : i32 to vector<128x32xi32>
    %eq3A_425 = arith.cmpi eq, %iota3A_70, %eq3A_424 : vector<128x32xi32>
    %broadcast_in_dim3A_426 = vector.shape_cast %reduce_min3A_422 : vector<128xi32> to vector<128x1xi32>
    %broadcast_in_dim3A_427 = vector.shape_cast %broadcast_in_dim3A_426 : vector<128x1xi32> to vector<128x1xi32>
    %broadcast_in_dim3A_428 = vector.broadcast %broadcast_in_dim3A_427 : vector<128x1xi32> to vector<128x32xi32>
    %select_n3A_429 = arith.select %eq3A_425, %broadcast_in_dim3A_428, %select_n3A_406 : vector<128x32xi1>, vector<128x32xi32>
    %broadcast_in_dim3A_430 = vector.shape_cast %reduce_min3A_422 : vector<128xi32> to vector<128x1xi32>
    %eq3A_431 = vector.broadcast %broadcast_in_dim3A_430 : vector<128x1xi32> to vector<128x8192xi32>
    %eq3A_432 = arith.cmpi eq, %iota3A, %eq3A_431 : vector<128x8192xi32>
    %jit3A_433 = arith.constant 0x7F800000 : f32
    %broadcast_in_dim3A_434 = vector.broadcast %jit3A_433 : f32 to vector<128x8192xf32>
    %select_n3A_435 = arith.select %eq3A_432, %broadcast_in_dim3A_434, %select_n3A_412 : vector<128x8192xi1>, vector<128x8192xf32>
    %reduce_min3A_436 = arith.constant dense<0x7F800000> : vector<128xf32>
    %reduce_min3A_437 = vector.multi_reduction <minimumf>, %select_n3A_435, %reduce_min3A_436 [1] : vector<128x8192xf32> to vector<128xf32>
    %broadcast_in_dim3A_438 = vector.shape_cast %reduce_min3A_437 : vector<128xf32> to vector<128x1xf32>
    %eq3A_439 = vector.broadcast %broadcast_in_dim3A_438 : vector<128x1xf32> to vector<128x8192xf32>
    %eq3A_440 = arith.cmpf oeq, %select_n3A_435, %eq3A_439 : vector<128x8192xf32>
    %jit3A_441 = arith.constant 8192 : i32
    %broadcast_in_dim3A_442 = vector.broadcast %jit3A_441 : i32 to vector<128x8192xi32>
    %select_n3A_443 = arith.select %eq3A_440, %iota3A, %broadcast_in_dim3A_442 : vector<128x8192xi1>, vector<128x8192xi32>
    %reduce_min3A_444 = arith.constant dense<2147483647> : vector<128xi32>
    %reduce_min3A_445 = vector.multi_reduction <minsi>, %select_n3A_443, %reduce_min3A_444 [1] : vector<128x8192xi32> to vector<128xi32>
    %eq3A_446 = arith.constant 16 : i32
    %eq3A_447 = vector.broadcast %eq3A_446 : i32 to vector<128x32xi32>
    %eq3A_448 = arith.cmpi eq, %iota3A_70, %eq3A_447 : vector<128x32xi32>
    %broadcast_in_dim3A_449 = vector.shape_cast %reduce_min3A_445 : vector<128xi32> to vector<128x1xi32>
    %broadcast_in_dim3A_450 = vector.shape_cast %broadcast_in_dim3A_449 : vector<128x1xi32> to vector<128x1xi32>
    %broadcast_in_dim3A_451 = vector.broadcast %broadcast_in_dim3A_450 : vector<128x1xi32> to vector<128x32xi32>
    %select_n3A_452 = arith.select %eq3A_448, %broadcast_in_dim3A_451, %select_n3A_429 : vector<128x32xi1>, vector<128x32xi32>
    %broadcast_in_dim3A_453 = vector.shape_cast %reduce_min3A_445 : vector<128xi32> to vector<128x1xi32>
    %eq3A_454 = vector.broadcast %broadcast_in_dim3A_453 : vector<128x1xi32> to vector<128x8192xi32>
    %eq3A_455 = arith.cmpi eq, %iota3A, %eq3A_454 : vector<128x8192xi32>
    %jit3A_456 = arith.constant 0x7F800000 : f32
    %broadcast_in_dim3A_457 = vector.broadcast %jit3A_456 : f32 to vector<128x8192xf32>
    %select_n3A_458 = arith.select %eq3A_455, %broadcast_in_dim3A_457, %select_n3A_435 : vector<128x8192xi1>, vector<128x8192xf32>
    %reduce_min3A_459 = arith.constant dense<0x7F800000> : vector<128xf32>
    %reduce_min3A_460 = vector.multi_reduction <minimumf>, %select_n3A_458, %reduce_min3A_459 [1] : vector<128x8192xf32> to vector<128xf32>
    %broadcast_in_dim3A_461 = vector.shape_cast %reduce_min3A_460 : vector<128xf32> to vector<128x1xf32>
    %eq3A_462 = vector.broadcast %broadcast_in_dim3A_461 : vector<128x1xf32> to vector<128x8192xf32>
    %eq3A_463 = arith.cmpf oeq, %select_n3A_458, %eq3A_462 : vector<128x8192xf32>
    %jit3A_464 = arith.constant 8192 : i32
    %broadcast_in_dim3A_465 = vector.broadcast %jit3A_464 : i32 to vector<128x8192xi32>
    %select_n3A_466 = arith.select %eq3A_463, %iota3A, %broadcast_in_dim3A_465 : vector<128x8192xi1>, vector<128x8192xi32>
    %reduce_min3A_467 = arith.constant dense<2147483647> : vector<128xi32>
    %reduce_min3A_468 = vector.multi_reduction <minsi>, %select_n3A_466, %reduce_min3A_467 [1] : vector<128x8192xi32> to vector<128xi32>
    %eq3A_469 = arith.constant 17 : i32
    %eq3A_470 = vector.broadcast %eq3A_469 : i32 to vector<128x32xi32>
    %eq3A_471 = arith.cmpi eq, %iota3A_70, %eq3A_470 : vector<128x32xi32>
    %broadcast_in_dim3A_472 = vector.shape_cast %reduce_min3A_468 : vector<128xi32> to vector<128x1xi32>
    %broadcast_in_dim3A_473 = vector.shape_cast %broadcast_in_dim3A_472 : vector<128x1xi32> to vector<128x1xi32>
    %broadcast_in_dim3A_474 = vector.broadcast %broadcast_in_dim3A_473 : vector<128x1xi32> to vector<128x32xi32>
    %select_n3A_475 = arith.select %eq3A_471, %broadcast_in_dim3A_474, %select_n3A_452 : vector<128x32xi1>, vector<128x32xi32>
    %broadcast_in_dim3A_476 = vector.shape_cast %reduce_min3A_468 : vector<128xi32> to vector<128x1xi32>
    %eq3A_477 = vector.broadcast %broadcast_in_dim3A_476 : vector<128x1xi32> to vector<128x8192xi32>
    %eq3A_478 = arith.cmpi eq, %iota3A, %eq3A_477 : vector<128x8192xi32>
    %jit3A_479 = arith.constant 0x7F800000 : f32
    %broadcast_in_dim3A_480 = vector.broadcast %jit3A_479 : f32 to vector<128x8192xf32>
    %select_n3A_481 = arith.select %eq3A_478, %broadcast_in_dim3A_480, %select_n3A_458 : vector<128x8192xi1>, vector<128x8192xf32>
    %reduce_min3A_482 = arith.constant dense<0x7F800000> : vector<128xf32>
    %reduce_min3A_483 = vector.multi_reduction <minimumf>, %select_n3A_481, %reduce_min3A_482 [1] : vector<128x8192xf32> to vector<128xf32>
    %broadcast_in_dim3A_484 = vector.shape_cast %reduce_min3A_483 : vector<128xf32> to vector<128x1xf32>
    %eq3A_485 = vector.broadcast %broadcast_in_dim3A_484 : vector<128x1xf32> to vector<128x8192xf32>
    %eq3A_486 = arith.cmpf oeq, %select_n3A_481, %eq3A_485 : vector<128x8192xf32>
    %jit3A_487 = arith.constant 8192 : i32
    %broadcast_in_dim3A_488 = vector.broadcast %jit3A_487 : i32 to vector<128x8192xi32>
    %select_n3A_489 = arith.select %eq3A_486, %iota3A, %broadcast_in_dim3A_488 : vector<128x8192xi1>, vector<128x8192xi32>
    %reduce_min3A_490 = arith.constant dense<2147483647> : vector<128xi32>
    %reduce_min3A_491 = vector.multi_reduction <minsi>, %select_n3A_489, %reduce_min3A_490 [1] : vector<128x8192xi32> to vector<128xi32>
    %eq3A_492 = arith.constant 18 : i32
    %eq3A_493 = vector.broadcast %eq3A_492 : i32 to vector<128x32xi32>
    %eq3A_494 = arith.cmpi eq, %iota3A_70, %eq3A_493 : vector<128x32xi32>
    %broadcast_in_dim3A_495 = vector.shape_cast %reduce_min3A_491 : vector<128xi32> to vector<128x1xi32>
    %broadcast_in_dim3A_496 = vector.shape_cast %broadcast_in_dim3A_495 : vector<128x1xi32> to vector<128x1xi32>
    %broadcast_in_dim3A_497 = vector.broadcast %broadcast_in_dim3A_496 : vector<128x1xi32> to vector<128x32xi32>
    %select_n3A_498 = arith.select %eq3A_494, %broadcast_in_dim3A_497, %select_n3A_475 : vector<128x32xi1>, vector<128x32xi32>
    %broadcast_in_dim3A_499 = vector.shape_cast %reduce_min3A_491 : vector<128xi32> to vector<128x1xi32>
    %eq3A_500 = vector.broadcast %broadcast_in_dim3A_499 : vector<128x1xi32> to vector<128x8192xi32>
    %eq3A_501 = arith.cmpi eq, %iota3A, %eq3A_500 : vector<128x8192xi32>
    %jit3A_502 = arith.constant 0x7F800000 : f32
    %broadcast_in_dim3A_503 = vector.broadcast %jit3A_502 : f32 to vector<128x8192xf32>
    %select_n3A_504 = arith.select %eq3A_501, %broadcast_in_dim3A_503, %select_n3A_481 : vector<128x8192xi1>, vector<128x8192xf32>
    %reduce_min3A_505 = arith.constant dense<0x7F800000> : vector<128xf32>
    %reduce_min3A_506 = vector.multi_reduction <minimumf>, %select_n3A_504, %reduce_min3A_505 [1] : vector<128x8192xf32> to vector<128xf32>
    %broadcast_in_dim3A_507 = vector.shape_cast %reduce_min3A_506 : vector<128xf32> to vector<128x1xf32>
    %eq3A_508 = vector.broadcast %broadcast_in_dim3A_507 : vector<128x1xf32> to vector<128x8192xf32>
    %eq3A_509 = arith.cmpf oeq, %select_n3A_504, %eq3A_508 : vector<128x8192xf32>
    %jit3A_510 = arith.constant 8192 : i32
    %broadcast_in_dim3A_511 = vector.broadcast %jit3A_510 : i32 to vector<128x8192xi32>
    %select_n3A_512 = arith.select %eq3A_509, %iota3A, %broadcast_in_dim3A_511 : vector<128x8192xi1>, vector<128x8192xi32>
    %reduce_min3A_513 = arith.constant dense<2147483647> : vector<128xi32>
    %reduce_min3A_514 = vector.multi_reduction <minsi>, %select_n3A_512, %reduce_min3A_513 [1] : vector<128x8192xi32> to vector<128xi32>
    %eq3A_515 = arith.constant 19 : i32
    %eq3A_516 = vector.broadcast %eq3A_515 : i32 to vector<128x32xi32>
    %eq3A_517 = arith.cmpi eq, %iota3A_70, %eq3A_516 : vector<128x32xi32>
    %broadcast_in_dim3A_518 = vector.shape_cast %reduce_min3A_514 : vector<128xi32> to vector<128x1xi32>
    %broadcast_in_dim3A_519 = vector.shape_cast %broadcast_in_dim3A_518 : vector<128x1xi32> to vector<128x1xi32>
    %broadcast_in_dim3A_520 = vector.broadcast %broadcast_in_dim3A_519 : vector<128x1xi32> to vector<128x32xi32>
    %select_n3A_521 = arith.select %eq3A_517, %broadcast_in_dim3A_520, %select_n3A_498 : vector<128x32xi1>, vector<128x32xi32>
    %broadcast_in_dim3A_522 = vector.shape_cast %reduce_min3A_514 : vector<128xi32> to vector<128x1xi32>
    %eq3A_523 = vector.broadcast %broadcast_in_dim3A_522 : vector<128x1xi32> to vector<128x8192xi32>
    %eq3A_524 = arith.cmpi eq, %iota3A, %eq3A_523 : vector<128x8192xi32>
    %jit3A_525 = arith.constant 0x7F800000 : f32
    %broadcast_in_dim3A_526 = vector.broadcast %jit3A_525 : f32 to vector<128x8192xf32>
    %select_n3A_527 = arith.select %eq3A_524, %broadcast_in_dim3A_526, %select_n3A_504 : vector<128x8192xi1>, vector<128x8192xf32>
    %reduce_min3A_528 = arith.constant dense<0x7F800000> : vector<128xf32>
    %reduce_min3A_529 = vector.multi_reduction <minimumf>, %select_n3A_527, %reduce_min3A_528 [1] : vector<128x8192xf32> to vector<128xf32>
    %broadcast_in_dim3A_530 = vector.shape_cast %reduce_min3A_529 : vector<128xf32> to vector<128x1xf32>
    %eq3A_531 = vector.broadcast %broadcast_in_dim3A_530 : vector<128x1xf32> to vector<128x8192xf32>
    %eq3A_532 = arith.cmpf oeq, %select_n3A_527, %eq3A_531 : vector<128x8192xf32>
    %jit3A_533 = arith.constant 8192 : i32
    %broadcast_in_dim3A_534 = vector.broadcast %jit3A_533 : i32 to vector<128x8192xi32>
    %select_n3A_535 = arith.select %eq3A_532, %iota3A, %broadcast_in_dim3A_534 : vector<128x8192xi1>, vector<128x8192xi32>
    %reduce_min3A_536 = arith.constant dense<2147483647> : vector<128xi32>
    %reduce_min3A_537 = vector.multi_reduction <minsi>, %select_n3A_535, %reduce_min3A_536 [1] : vector<128x8192xi32> to vector<128xi32>
    %eq3A_538 = arith.constant 20 : i32
    %eq3A_539 = vector.broadcast %eq3A_538 : i32 to vector<128x32xi32>
    %eq3A_540 = arith.cmpi eq, %iota3A_70, %eq3A_539 : vector<128x32xi32>
    %broadcast_in_dim3A_541 = vector.shape_cast %reduce_min3A_537 : vector<128xi32> to vector<128x1xi32>
    %broadcast_in_dim3A_542 = vector.shape_cast %broadcast_in_dim3A_541 : vector<128x1xi32> to vector<128x1xi32>
    %broadcast_in_dim3A_543 = vector.broadcast %broadcast_in_dim3A_542 : vector<128x1xi32> to vector<128x32xi32>
    %select_n3A_544 = arith.select %eq3A_540, %broadcast_in_dim3A_543, %select_n3A_521 : vector<128x32xi1>, vector<128x32xi32>
    %broadcast_in_dim3A_545 = vector.shape_cast %reduce_min3A_537 : vector<128xi32> to vector<128x1xi32>
    %eq3A_546 = vector.broadcast %broadcast_in_dim3A_545 : vector<128x1xi32> to vector<128x8192xi32>
    %eq3A_547 = arith.cmpi eq, %iota3A, %eq3A_546 : vector<128x8192xi32>
    %jit3A_548 = arith.constant 0x7F800000 : f32
    %broadcast_in_dim3A_549 = vector.broadcast %jit3A_548 : f32 to vector<128x8192xf32>
    %select_n3A_550 = arith.select %eq3A_547, %broadcast_in_dim3A_549, %select_n3A_527 : vector<128x8192xi1>, vector<128x8192xf32>
    %reduce_min3A_551 = arith.constant dense<0x7F800000> : vector<128xf32>
    %reduce_min3A_552 = vector.multi_reduction <minimumf>, %select_n3A_550, %reduce_min3A_551 [1] : vector<128x8192xf32> to vector<128xf32>
    %broadcast_in_dim3A_553 = vector.shape_cast %reduce_min3A_552 : vector<128xf32> to vector<128x1xf32>
    %eq3A_554 = vector.broadcast %broadcast_in_dim3A_553 : vector<128x1xf32> to vector<128x8192xf32>
    %eq3A_555 = arith.cmpf oeq, %select_n3A_550, %eq3A_554 : vector<128x8192xf32>
    %jit3A_556 = arith.constant 8192 : i32
    %broadcast_in_dim3A_557 = vector.broadcast %jit3A_556 : i32 to vector<128x8192xi32>
    %select_n3A_558 = arith.select %eq3A_555, %iota3A, %broadcast_in_dim3A_557 : vector<128x8192xi1>, vector<128x8192xi32>
    %reduce_min3A_559 = arith.constant dense<2147483647> : vector<128xi32>
    %reduce_min3A_560 = vector.multi_reduction <minsi>, %select_n3A_558, %reduce_min3A_559 [1] : vector<128x8192xi32> to vector<128xi32>
    %eq3A_561 = arith.constant 21 : i32
    %eq3A_562 = vector.broadcast %eq3A_561 : i32 to vector<128x32xi32>
    %eq3A_563 = arith.cmpi eq, %iota3A_70, %eq3A_562 : vector<128x32xi32>
    %broadcast_in_dim3A_564 = vector.shape_cast %reduce_min3A_560 : vector<128xi32> to vector<128x1xi32>
    %broadcast_in_dim3A_565 = vector.shape_cast %broadcast_in_dim3A_564 : vector<128x1xi32> to vector<128x1xi32>
    %broadcast_in_dim3A_566 = vector.broadcast %broadcast_in_dim3A_565 : vector<128x1xi32> to vector<128x32xi32>
    %select_n3A_567 = arith.select %eq3A_563, %broadcast_in_dim3A_566, %select_n3A_544 : vector<128x32xi1>, vector<128x32xi32>
    %broadcast_in_dim3A_568 = vector.shape_cast %reduce_min3A_560 : vector<128xi32> to vector<128x1xi32>
    %eq3A_569 = vector.broadcast %broadcast_in_dim3A_568 : vector<128x1xi32> to vector<128x8192xi32>
    %eq3A_570 = arith.cmpi eq, %iota3A, %eq3A_569 : vector<128x8192xi32>
    %jit3A_571 = arith.constant 0x7F800000 : f32
    %broadcast_in_dim3A_572 = vector.broadcast %jit3A_571 : f32 to vector<128x8192xf32>
    %select_n3A_573 = arith.select %eq3A_570, %broadcast_in_dim3A_572, %select_n3A_550 : vector<128x8192xi1>, vector<128x8192xf32>
    %reduce_min3A_574 = arith.constant dense<0x7F800000> : vector<128xf32>
    %reduce_min3A_575 = vector.multi_reduction <minimumf>, %select_n3A_573, %reduce_min3A_574 [1] : vector<128x8192xf32> to vector<128xf32>
    %broadcast_in_dim3A_576 = vector.shape_cast %reduce_min3A_575 : vector<128xf32> to vector<128x1xf32>
    %eq3A_577 = vector.broadcast %broadcast_in_dim3A_576 : vector<128x1xf32> to vector<128x8192xf32>
    %eq3A_578 = arith.cmpf oeq, %select_n3A_573, %eq3A_577 : vector<128x8192xf32>
    %jit3A_579 = arith.constant 8192 : i32
    %broadcast_in_dim3A_580 = vector.broadcast %jit3A_579 : i32 to vector<128x8192xi32>
    %select_n3A_581 = arith.select %eq3A_578, %iota3A, %broadcast_in_dim3A_580 : vector<128x8192xi1>, vector<128x8192xi32>
    %reduce_min3A_582 = arith.constant dense<2147483647> : vector<128xi32>
    %reduce_min3A_583 = vector.multi_reduction <minsi>, %select_n3A_581, %reduce_min3A_582 [1] : vector<128x8192xi32> to vector<128xi32>
    %eq3A_584 = arith.constant 22 : i32
    %eq3A_585 = vector.broadcast %eq3A_584 : i32 to vector<128x32xi32>
    %eq3A_586 = arith.cmpi eq, %iota3A_70, %eq3A_585 : vector<128x32xi32>
    %broadcast_in_dim3A_587 = vector.shape_cast %reduce_min3A_583 : vector<128xi32> to vector<128x1xi32>
    %broadcast_in_dim3A_588 = vector.shape_cast %broadcast_in_dim3A_587 : vector<128x1xi32> to vector<128x1xi32>
    %broadcast_in_dim3A_589 = vector.broadcast %broadcast_in_dim3A_588 : vector<128x1xi32> to vector<128x32xi32>
    %select_n3A_590 = arith.select %eq3A_586, %broadcast_in_dim3A_589, %select_n3A_567 : vector<128x32xi1>, vector<128x32xi32>
    %broadcast_in_dim3A_591 = vector.shape_cast %reduce_min3A_583 : vector<128xi32> to vector<128x1xi32>
    %eq3A_592 = vector.broadcast %broadcast_in_dim3A_591 : vector<128x1xi32> to vector<128x8192xi32>
    %eq3A_593 = arith.cmpi eq, %iota3A, %eq3A_592 : vector<128x8192xi32>
    %jit3A_594 = arith.constant 0x7F800000 : f32
    %broadcast_in_dim3A_595 = vector.broadcast %jit3A_594 : f32 to vector<128x8192xf32>
    %select_n3A_596 = arith.select %eq3A_593, %broadcast_in_dim3A_595, %select_n3A_573 : vector<128x8192xi1>, vector<128x8192xf32>
    %reduce_min3A_597 = arith.constant dense<0x7F800000> : vector<128xf32>
    %reduce_min3A_598 = vector.multi_reduction <minimumf>, %select_n3A_596, %reduce_min3A_597 [1] : vector<128x8192xf32> to vector<128xf32>
    %broadcast_in_dim3A_599 = vector.shape_cast %reduce_min3A_598 : vector<128xf32> to vector<128x1xf32>
    %eq3A_600 = vector.broadcast %broadcast_in_dim3A_599 : vector<128x1xf32> to vector<128x8192xf32>
    %eq3A_601 = arith.cmpf oeq, %select_n3A_596, %eq3A_600 : vector<128x8192xf32>
    %jit3A_602 = arith.constant 8192 : i32
    %broadcast_in_dim3A_603 = vector.broadcast %jit3A_602 : i32 to vector<128x8192xi32>
    %select_n3A_604 = arith.select %eq3A_601, %iota3A, %broadcast_in_dim3A_603 : vector<128x8192xi1>, vector<128x8192xi32>
    %reduce_min3A_605 = arith.constant dense<2147483647> : vector<128xi32>
    %reduce_min3A_606 = vector.multi_reduction <minsi>, %select_n3A_604, %reduce_min3A_605 [1] : vector<128x8192xi32> to vector<128xi32>
    %eq3A_607 = arith.constant 23 : i32
    %eq3A_608 = vector.broadcast %eq3A_607 : i32 to vector<128x32xi32>
    %eq3A_609 = arith.cmpi eq, %iota3A_70, %eq3A_608 : vector<128x32xi32>
    %broadcast_in_dim3A_610 = vector.shape_cast %reduce_min3A_606 : vector<128xi32> to vector<128x1xi32>
    %broadcast_in_dim3A_611 = vector.shape_cast %broadcast_in_dim3A_610 : vector<128x1xi32> to vector<128x1xi32>
    %broadcast_in_dim3A_612 = vector.broadcast %broadcast_in_dim3A_611 : vector<128x1xi32> to vector<128x32xi32>
    %select_n3A_613 = arith.select %eq3A_609, %broadcast_in_dim3A_612, %select_n3A_590 : vector<128x32xi1>, vector<128x32xi32>
    %broadcast_in_dim3A_614 = vector.shape_cast %reduce_min3A_606 : vector<128xi32> to vector<128x1xi32>
    %eq3A_615 = vector.broadcast %broadcast_in_dim3A_614 : vector<128x1xi32> to vector<128x8192xi32>
    %eq3A_616 = arith.cmpi eq, %iota3A, %eq3A_615 : vector<128x8192xi32>
    %jit3A_617 = arith.constant 0x7F800000 : f32
    %broadcast_in_dim3A_618 = vector.broadcast %jit3A_617 : f32 to vector<128x8192xf32>
    %select_n3A_619 = arith.select %eq3A_616, %broadcast_in_dim3A_618, %select_n3A_596 : vector<128x8192xi1>, vector<128x8192xf32>
    %reduce_min3A_620 = arith.constant dense<0x7F800000> : vector<128xf32>
    %reduce_min3A_621 = vector.multi_reduction <minimumf>, %select_n3A_619, %reduce_min3A_620 [1] : vector<128x8192xf32> to vector<128xf32>
    %broadcast_in_dim3A_622 = vector.shape_cast %reduce_min3A_621 : vector<128xf32> to vector<128x1xf32>
    %eq3A_623 = vector.broadcast %broadcast_in_dim3A_622 : vector<128x1xf32> to vector<128x8192xf32>
    %eq3A_624 = arith.cmpf oeq, %select_n3A_619, %eq3A_623 : vector<128x8192xf32>
    %jit3A_625 = arith.constant 8192 : i32
    %broadcast_in_dim3A_626 = vector.broadcast %jit3A_625 : i32 to vector<128x8192xi32>
    %select_n3A_627 = arith.select %eq3A_624, %iota3A, %broadcast_in_dim3A_626 : vector<128x8192xi1>, vector<128x8192xi32>
    %reduce_min3A_628 = arith.constant dense<2147483647> : vector<128xi32>
    %reduce_min3A_629 = vector.multi_reduction <minsi>, %select_n3A_627, %reduce_min3A_628 [1] : vector<128x8192xi32> to vector<128xi32>
    %eq3A_630 = arith.constant 24 : i32
    %eq3A_631 = vector.broadcast %eq3A_630 : i32 to vector<128x32xi32>
    %eq3A_632 = arith.cmpi eq, %iota3A_70, %eq3A_631 : vector<128x32xi32>
    %broadcast_in_dim3A_633 = vector.shape_cast %reduce_min3A_629 : vector<128xi32> to vector<128x1xi32>
    %broadcast_in_dim3A_634 = vector.shape_cast %broadcast_in_dim3A_633 : vector<128x1xi32> to vector<128x1xi32>
    %broadcast_in_dim3A_635 = vector.broadcast %broadcast_in_dim3A_634 : vector<128x1xi32> to vector<128x32xi32>
    %select_n3A_636 = arith.select %eq3A_632, %broadcast_in_dim3A_635, %select_n3A_613 : vector<128x32xi1>, vector<128x32xi32>
    %broadcast_in_dim3A_637 = vector.shape_cast %reduce_min3A_629 : vector<128xi32> to vector<128x1xi32>
    %eq3A_638 = vector.broadcast %broadcast_in_dim3A_637 : vector<128x1xi32> to vector<128x8192xi32>
    %eq3A_639 = arith.cmpi eq, %iota3A, %eq3A_638 : vector<128x8192xi32>
    %jit3A_640 = arith.constant 0x7F800000 : f32
    %broadcast_in_dim3A_641 = vector.broadcast %jit3A_640 : f32 to vector<128x8192xf32>
    %select_n3A_642 = arith.select %eq3A_639, %broadcast_in_dim3A_641, %select_n3A_619 : vector<128x8192xi1>, vector<128x8192xf32>
    %reduce_min3A_643 = arith.constant dense<0x7F800000> : vector<128xf32>
    %reduce_min3A_644 = vector.multi_reduction <minimumf>, %select_n3A_642, %reduce_min3A_643 [1] : vector<128x8192xf32> to vector<128xf32>
    %broadcast_in_dim3A_645 = vector.shape_cast %reduce_min3A_644 : vector<128xf32> to vector<128x1xf32>
    %eq3A_646 = vector.broadcast %broadcast_in_dim3A_645 : vector<128x1xf32> to vector<128x8192xf32>
    %eq3A_647 = arith.cmpf oeq, %select_n3A_642, %eq3A_646 : vector<128x8192xf32>
    %jit3A_648 = arith.constant 8192 : i32
    %broadcast_in_dim3A_649 = vector.broadcast %jit3A_648 : i32 to vector<128x8192xi32>
    %select_n3A_650 = arith.select %eq3A_647, %iota3A, %broadcast_in_dim3A_649 : vector<128x8192xi1>, vector<128x8192xi32>
    %reduce_min3A_651 = arith.constant dense<2147483647> : vector<128xi32>
    %reduce_min3A_652 = vector.multi_reduction <minsi>, %select_n3A_650, %reduce_min3A_651 [1] : vector<128x8192xi32> to vector<128xi32>
    %eq3A_653 = arith.constant 25 : i32
    %eq3A_654 = vector.broadcast %eq3A_653 : i32 to vector<128x32xi32>
    %eq3A_655 = arith.cmpi eq, %iota3A_70, %eq3A_654 : vector<128x32xi32>
    %broadcast_in_dim3A_656 = vector.shape_cast %reduce_min3A_652 : vector<128xi32> to vector<128x1xi32>
    %broadcast_in_dim3A_657 = vector.shape_cast %broadcast_in_dim3A_656 : vector<128x1xi32> to vector<128x1xi32>
    %broadcast_in_dim3A_658 = vector.broadcast %broadcast_in_dim3A_657 : vector<128x1xi32> to vector<128x32xi32>
    %select_n3A_659 = arith.select %eq3A_655, %broadcast_in_dim3A_658, %select_n3A_636 : vector<128x32xi1>, vector<128x32xi32>
    %broadcast_in_dim3A_660 = vector.shape_cast %reduce_min3A_652 : vector<128xi32> to vector<128x1xi32>
    %eq3A_661 = vector.broadcast %broadcast_in_dim3A_660 : vector<128x1xi32> to vector<128x8192xi32>
    %eq3A_662 = arith.cmpi eq, %iota3A, %eq3A_661 : vector<128x8192xi32>
    %jit3A_663 = arith.constant 0x7F800000 : f32
    %broadcast_in_dim3A_664 = vector.broadcast %jit3A_663 : f32 to vector<128x8192xf32>
    %select_n3A_665 = arith.select %eq3A_662, %broadcast_in_dim3A_664, %select_n3A_642 : vector<128x8192xi1>, vector<128x8192xf32>
    %reduce_min3A_666 = arith.constant dense<0x7F800000> : vector<128xf32>
    %reduce_min3A_667 = vector.multi_reduction <minimumf>, %select_n3A_665, %reduce_min3A_666 [1] : vector<128x8192xf32> to vector<128xf32>
    %broadcast_in_dim3A_668 = vector.shape_cast %reduce_min3A_667 : vector<128xf32> to vector<128x1xf32>
    %eq3A_669 = vector.broadcast %broadcast_in_dim3A_668 : vector<128x1xf32> to vector<128x8192xf32>
    %eq3A_670 = arith.cmpf oeq, %select_n3A_665, %eq3A_669 : vector<128x8192xf32>
    %jit3A_671 = arith.constant 8192 : i32
    %broadcast_in_dim3A_672 = vector.broadcast %jit3A_671 : i32 to vector<128x8192xi32>
    %select_n3A_673 = arith.select %eq3A_670, %iota3A, %broadcast_in_dim3A_672 : vector<128x8192xi1>, vector<128x8192xi32>
    %reduce_min3A_674 = arith.constant dense<2147483647> : vector<128xi32>
    %reduce_min3A_675 = vector.multi_reduction <minsi>, %select_n3A_673, %reduce_min3A_674 [1] : vector<128x8192xi32> to vector<128xi32>
    %eq3A_676 = arith.constant 26 : i32
    %eq3A_677 = vector.broadcast %eq3A_676 : i32 to vector<128x32xi32>
    %eq3A_678 = arith.cmpi eq, %iota3A_70, %eq3A_677 : vector<128x32xi32>
    %broadcast_in_dim3A_679 = vector.shape_cast %reduce_min3A_675 : vector<128xi32> to vector<128x1xi32>
    %broadcast_in_dim3A_680 = vector.shape_cast %broadcast_in_dim3A_679 : vector<128x1xi32> to vector<128x1xi32>
    %broadcast_in_dim3A_681 = vector.broadcast %broadcast_in_dim3A_680 : vector<128x1xi32> to vector<128x32xi32>
    %select_n3A_682 = arith.select %eq3A_678, %broadcast_in_dim3A_681, %select_n3A_659 : vector<128x32xi1>, vector<128x32xi32>
    %broadcast_in_dim3A_683 = vector.shape_cast %reduce_min3A_675 : vector<128xi32> to vector<128x1xi32>
    %eq3A_684 = vector.broadcast %broadcast_in_dim3A_683 : vector<128x1xi32> to vector<128x8192xi32>
    %eq3A_685 = arith.cmpi eq, %iota3A, %eq3A_684 : vector<128x8192xi32>
    %jit3A_686 = arith.constant 0x7F800000 : f32
    %broadcast_in_dim3A_687 = vector.broadcast %jit3A_686 : f32 to vector<128x8192xf32>
    %select_n3A_688 = arith.select %eq3A_685, %broadcast_in_dim3A_687, %select_n3A_665 : vector<128x8192xi1>, vector<128x8192xf32>
    %reduce_min3A_689 = arith.constant dense<0x7F800000> : vector<128xf32>
    %reduce_min3A_690 = vector.multi_reduction <minimumf>, %select_n3A_688, %reduce_min3A_689 [1] : vector<128x8192xf32> to vector<128xf32>
    %broadcast_in_dim3A_691 = vector.shape_cast %reduce_min3A_690 : vector<128xf32> to vector<128x1xf32>
    %eq3A_692 = vector.broadcast %broadcast_in_dim3A_691 : vector<128x1xf32> to vector<128x8192xf32>
    %eq3A_693 = arith.cmpf oeq, %select_n3A_688, %eq3A_692 : vector<128x8192xf32>
    %jit3A_694 = arith.constant 8192 : i32
    %broadcast_in_dim3A_695 = vector.broadcast %jit3A_694 : i32 to vector<128x8192xi32>
    %select_n3A_696 = arith.select %eq3A_693, %iota3A, %broadcast_in_dim3A_695 : vector<128x8192xi1>, vector<128x8192xi32>
    %reduce_min3A_697 = arith.constant dense<2147483647> : vector<128xi32>
    %reduce_min3A_698 = vector.multi_reduction <minsi>, %select_n3A_696, %reduce_min3A_697 [1] : vector<128x8192xi32> to vector<128xi32>
    %eq3A_699 = arith.constant 27 : i32
    %eq3A_700 = vector.broadcast %eq3A_699 : i32 to vector<128x32xi32>
    %eq3A_701 = arith.cmpi eq, %iota3A_70, %eq3A_700 : vector<128x32xi32>
    %broadcast_in_dim3A_702 = vector.shape_cast %reduce_min3A_698 : vector<128xi32> to vector<128x1xi32>
    %broadcast_in_dim3A_703 = vector.shape_cast %broadcast_in_dim3A_702 : vector<128x1xi32> to vector<128x1xi32>
    %broadcast_in_dim3A_704 = vector.broadcast %broadcast_in_dim3A_703 : vector<128x1xi32> to vector<128x32xi32>
    %select_n3A_705 = arith.select %eq3A_701, %broadcast_in_dim3A_704, %select_n3A_682 : vector<128x32xi1>, vector<128x32xi32>
    %broadcast_in_dim3A_706 = vector.shape_cast %reduce_min3A_698 : vector<128xi32> to vector<128x1xi32>
    %eq3A_707 = vector.broadcast %broadcast_in_dim3A_706 : vector<128x1xi32> to vector<128x8192xi32>
    %eq3A_708 = arith.cmpi eq, %iota3A, %eq3A_707 : vector<128x8192xi32>
    %jit3A_709 = arith.constant 0x7F800000 : f32
    %broadcast_in_dim3A_710 = vector.broadcast %jit3A_709 : f32 to vector<128x8192xf32>
    %select_n3A_711 = arith.select %eq3A_708, %broadcast_in_dim3A_710, %select_n3A_688 : vector<128x8192xi1>, vector<128x8192xf32>
    %reduce_min3A_712 = arith.constant dense<0x7F800000> : vector<128xf32>
    %reduce_min3A_713 = vector.multi_reduction <minimumf>, %select_n3A_711, %reduce_min3A_712 [1] : vector<128x8192xf32> to vector<128xf32>
    %broadcast_in_dim3A_714 = vector.shape_cast %reduce_min3A_713 : vector<128xf32> to vector<128x1xf32>
    %eq3A_715 = vector.broadcast %broadcast_in_dim3A_714 : vector<128x1xf32> to vector<128x8192xf32>
    %eq3A_716 = arith.cmpf oeq, %select_n3A_711, %eq3A_715 : vector<128x8192xf32>
    %jit3A_717 = arith.constant 8192 : i32
    %broadcast_in_dim3A_718 = vector.broadcast %jit3A_717 : i32 to vector<128x8192xi32>
    %select_n3A_719 = arith.select %eq3A_716, %iota3A, %broadcast_in_dim3A_718 : vector<128x8192xi1>, vector<128x8192xi32>
    %reduce_min3A_720 = arith.constant dense<2147483647> : vector<128xi32>
    %reduce_min3A_721 = vector.multi_reduction <minsi>, %select_n3A_719, %reduce_min3A_720 [1] : vector<128x8192xi32> to vector<128xi32>
    %eq3A_722 = arith.constant 28 : i32
    %eq3A_723 = vector.broadcast %eq3A_722 : i32 to vector<128x32xi32>
    %eq3A_724 = arith.cmpi eq, %iota3A_70, %eq3A_723 : vector<128x32xi32>
    %broadcast_in_dim3A_725 = vector.shape_cast %reduce_min3A_721 : vector<128xi32> to vector<128x1xi32>
    %broadcast_in_dim3A_726 = vector.shape_cast %broadcast_in_dim3A_725 : vector<128x1xi32> to vector<128x1xi32>
    %broadcast_in_dim3A_727 = vector.broadcast %broadcast_in_dim3A_726 : vector<128x1xi32> to vector<128x32xi32>
    %select_n3A_728 = arith.select %eq3A_724, %broadcast_in_dim3A_727, %select_n3A_705 : vector<128x32xi1>, vector<128x32xi32>
    %broadcast_in_dim3A_729 = vector.shape_cast %reduce_min3A_721 : vector<128xi32> to vector<128x1xi32>
    %eq3A_730 = vector.broadcast %broadcast_in_dim3A_729 : vector<128x1xi32> to vector<128x8192xi32>
    %eq3A_731 = arith.cmpi eq, %iota3A, %eq3A_730 : vector<128x8192xi32>
    %jit3A_732 = arith.constant 0x7F800000 : f32
    %broadcast_in_dim3A_733 = vector.broadcast %jit3A_732 : f32 to vector<128x8192xf32>
    %select_n3A_734 = arith.select %eq3A_731, %broadcast_in_dim3A_733, %select_n3A_711 : vector<128x8192xi1>, vector<128x8192xf32>
    %reduce_min3A_735 = arith.constant dense<0x7F800000> : vector<128xf32>
    %reduce_min3A_736 = vector.multi_reduction <minimumf>, %select_n3A_734, %reduce_min3A_735 [1] : vector<128x8192xf32> to vector<128xf32>
    %broadcast_in_dim3A_737 = vector.shape_cast %reduce_min3A_736 : vector<128xf32> to vector<128x1xf32>
    %eq3A_738 = vector.broadcast %broadcast_in_dim3A_737 : vector<128x1xf32> to vector<128x8192xf32>
    %eq3A_739 = arith.cmpf oeq, %select_n3A_734, %eq3A_738 : vector<128x8192xf32>
    %jit3A_740 = arith.constant 8192 : i32
    %broadcast_in_dim3A_741 = vector.broadcast %jit3A_740 : i32 to vector<128x8192xi32>
    %select_n3A_742 = arith.select %eq3A_739, %iota3A, %broadcast_in_dim3A_741 : vector<128x8192xi1>, vector<128x8192xi32>
    %reduce_min3A_743 = arith.constant dense<2147483647> : vector<128xi32>
    %reduce_min3A_744 = vector.multi_reduction <minsi>, %select_n3A_742, %reduce_min3A_743 [1] : vector<128x8192xi32> to vector<128xi32>
    %eq3A_745 = arith.constant 29 : i32
    %eq3A_746 = vector.broadcast %eq3A_745 : i32 to vector<128x32xi32>
    %eq3A_747 = arith.cmpi eq, %iota3A_70, %eq3A_746 : vector<128x32xi32>
    %broadcast_in_dim3A_748 = vector.shape_cast %reduce_min3A_744 : vector<128xi32> to vector<128x1xi32>
    %broadcast_in_dim3A_749 = vector.shape_cast %broadcast_in_dim3A_748 : vector<128x1xi32> to vector<128x1xi32>
    %broadcast_in_dim3A_750 = vector.broadcast %broadcast_in_dim3A_749 : vector<128x1xi32> to vector<128x32xi32>
    %select_n3A_751 = arith.select %eq3A_747, %broadcast_in_dim3A_750, %select_n3A_728 : vector<128x32xi1>, vector<128x32xi32>
    %broadcast_in_dim3A_752 = vector.shape_cast %reduce_min3A_744 : vector<128xi32> to vector<128x1xi32>
    %eq3A_753 = vector.broadcast %broadcast_in_dim3A_752 : vector<128x1xi32> to vector<128x8192xi32>
    %eq3A_754 = arith.cmpi eq, %iota3A, %eq3A_753 : vector<128x8192xi32>
    %jit3A_755 = arith.constant 0x7F800000 : f32
    %broadcast_in_dim3A_756 = vector.broadcast %jit3A_755 : f32 to vector<128x8192xf32>
    %select_n3A_757 = arith.select %eq3A_754, %broadcast_in_dim3A_756, %select_n3A_734 : vector<128x8192xi1>, vector<128x8192xf32>
    %reduce_min3A_758 = arith.constant dense<0x7F800000> : vector<128xf32>
    %reduce_min3A_759 = vector.multi_reduction <minimumf>, %select_n3A_757, %reduce_min3A_758 [1] : vector<128x8192xf32> to vector<128xf32>
    %broadcast_in_dim3A_760 = vector.shape_cast %reduce_min3A_759 : vector<128xf32> to vector<128x1xf32>
    %eq3A_761 = vector.broadcast %broadcast_in_dim3A_760 : vector<128x1xf32> to vector<128x8192xf32>
    %eq3A_762 = arith.cmpf oeq, %select_n3A_757, %eq3A_761 : vector<128x8192xf32>
    %jit3A_763 = arith.constant 8192 : i32
    %broadcast_in_dim3A_764 = vector.broadcast %jit3A_763 : i32 to vector<128x8192xi32>
    %select_n3A_765 = arith.select %eq3A_762, %iota3A, %broadcast_in_dim3A_764 : vector<128x8192xi1>, vector<128x8192xi32>
    %reduce_min3A_766 = arith.constant dense<2147483647> : vector<128xi32>
    %reduce_min3A_767 = vector.multi_reduction <minsi>, %select_n3A_765, %reduce_min3A_766 [1] : vector<128x8192xi32> to vector<128xi32>
    %eq3A_768 = arith.constant 30 : i32
    %eq3A_769 = vector.broadcast %eq3A_768 : i32 to vector<128x32xi32>
    %eq3A_770 = arith.cmpi eq, %iota3A_70, %eq3A_769 : vector<128x32xi32>
    %broadcast_in_dim3A_771 = vector.shape_cast %reduce_min3A_767 : vector<128xi32> to vector<128x1xi32>
    %broadcast_in_dim3A_772 = vector.shape_cast %broadcast_in_dim3A_771 : vector<128x1xi32> to vector<128x1xi32>
    %broadcast_in_dim3A_773 = vector.broadcast %broadcast_in_dim3A_772 : vector<128x1xi32> to vector<128x32xi32>
    %select_n3A_774 = arith.select %eq3A_770, %broadcast_in_dim3A_773, %select_n3A_751 : vector<128x32xi1>, vector<128x32xi32>
    %broadcast_in_dim3A_775 = vector.shape_cast %reduce_min3A_767 : vector<128xi32> to vector<128x1xi32>
    %eq3A_776 = vector.broadcast %broadcast_in_dim3A_775 : vector<128x1xi32> to vector<128x8192xi32>
    %eq3A_777 = arith.cmpi eq, %iota3A, %eq3A_776 : vector<128x8192xi32>
    %jit3A_778 = arith.constant 0x7F800000 : f32
    %broadcast_in_dim3A_779 = vector.broadcast %jit3A_778 : f32 to vector<128x8192xf32>
    %select_n3A_780 = arith.select %eq3A_777, %broadcast_in_dim3A_779, %select_n3A_757 : vector<128x8192xi1>, vector<128x8192xf32>
    %reduce_min3A_781 = arith.constant dense<0x7F800000> : vector<128xf32>
    %reduce_min3A_782 = vector.multi_reduction <minimumf>, %select_n3A_780, %reduce_min3A_781 [1] : vector<128x8192xf32> to vector<128xf32>
    %broadcast_in_dim3A_783 = vector.shape_cast %reduce_min3A_782 : vector<128xf32> to vector<128x1xf32>
    %eq3A_784 = vector.broadcast %broadcast_in_dim3A_783 : vector<128x1xf32> to vector<128x8192xf32>
    %eq3A_785 = arith.cmpf oeq, %select_n3A_780, %eq3A_784 : vector<128x8192xf32>
    %jit3A_786 = arith.constant 8192 : i32
    %broadcast_in_dim3A_787 = vector.broadcast %jit3A_786 : i32 to vector<128x8192xi32>
    %select_n3A_788 = arith.select %eq3A_785, %iota3A, %broadcast_in_dim3A_787 : vector<128x8192xi1>, vector<128x8192xi32>
    %reduce_min3A_789 = arith.constant dense<2147483647> : vector<128xi32>
    %reduce_min3A_790 = vector.multi_reduction <minsi>, %select_n3A_788, %reduce_min3A_789 [1] : vector<128x8192xi32> to vector<128xi32>
    %eq3A_791 = arith.constant 31 : i32
    %eq3A_792 = vector.broadcast %eq3A_791 : i32 to vector<128x32xi32>
    %eq3A_793 = arith.cmpi eq, %iota3A_70, %eq3A_792 : vector<128x32xi32>
    %broadcast_in_dim3A_794 = vector.shape_cast %reduce_min3A_790 : vector<128xi32> to vector<128x1xi32>
    %broadcast_in_dim3A_795 = vector.shape_cast %broadcast_in_dim3A_794 : vector<128x1xi32> to vector<128x1xi32>
    %broadcast_in_dim3A_796 = vector.broadcast %broadcast_in_dim3A_795 : vector<128x1xi32> to vector<128x32xi32>
    %select_n3A_797 = arith.select %eq3A_793, %broadcast_in_dim3A_796, %select_n3A_774 : vector<128x32xi1>, vector<128x32xi32>
    %mul3A_798 = arith.constant 8192 : i32
    %mul3A_799 = arith.muli %arg0, %mul3A_798 : i32
    %add3A_800 = vector.broadcast %mul3A_799 : i32 to vector<128x32xi32>
    %add3A_801 = arith.addi %select_n3A_797, %add3A_800 : vector<128x32xi32>
    %swap3A = arith.constant 0 : index
    %swap3A_802 = arith.constant 0 : index
    %swap3A_803 = arith.constant 0 : index
    %swap3A_804 = arith.constant 0 : index
    %swap3A_805 = vector.load %arg10[%swap3A, %swap3A_802, %swap3A_803, %swap3A_804] : memref<1x1x128x32xi32, #tpu.memory_space<vmem>>, vector<1x1x128x32xi32>
    %swap3A_806 = vector.shape_cast %swap3A_805 : vector<1x1x128x32xi32> to vector<128x32xi32>
    %swap3A_807 = vector.shape_cast %add3A_801 : vector<128x32xi32> to vector<1x1x128x32xi32>
    tpu.vector_store %arg10[%swap3A, %swap3A_802, %swap3A_803, %swap3A_804], %swap3A_807 {strides = array<i32>} : memref<1x1x128x32xi32, #tpu.memory_space<vmem>>, vector<1x1x128x32xi32>,
    return
  }
  func.func @transform_0(%arg0: i32, %arg1: i32) -> (i32, i32, i32) {
    %c0_i32 = arith.constant 0 : i32
    %c0_i32_0 = arith.constant 0 : i32
    %c0_i32_1 = arith.constant 0 : i32
    return %arg0, %c0_i32, %c0_i32_0 : i32, i32, i32
  }
  func.func @transform_1(%arg0: i32, %arg1: i32) -> (i32, i32, i32) {
    %c0_i32 = arith.constant 0 : i32
    %c0_i32_0 = arith.constant 0 : i32
    %c0_i32_1 = arith.constant 0 : i32
    return %arg0, %c0_i32, %c0_i32_0 : i32, i32, i32
  }
  func.func @transform_2(%arg0: i32, %arg1: i32) -> (i32, i32, i32) {
    %c0_i32 = arith.constant 0 : i32
    %c0_i32_0 = arith.constant 0 : i32
    %c0_i32_1 = arith.constant 0 : i32
    return %arg0, %c0_i32, %c0_i32_0 : i32, i32, i32
  }
  func.func @transform_3(%arg0: i32, %arg1: i32) -> (i32, i32, i32, i32) {
    %c0_i32 = arith.constant 0 : i32
    %c0_i32_0 = arith.constant 0 : i32
    %c0_i32_1 = arith.constant 0 : i32
    return %arg0, %arg1, %c0_i32, %c0_i32_0 : i32, i32, i32, i32
  }
  func.func @transform_4(%arg0: i32, %arg1: i32) -> (i32, i32, i32, i32) {
    %c0_i32 = arith.constant 0 : i32
    %c0_i32_0 = arith.constant 0 : i32
    %c0_i32_1 = arith.constant 0 : i32
    return %arg0, %arg1, %c0_i32, %c0_i32_0 : i32, i32, i32, i32
  }
  func.func @transform_5(%arg0: i32, %arg1: i32) -> (i32, i32, i32, i32) {
    %c0_i32 = arith.constant 0 : i32
    %c0_i32_0 = arith.constant 0 : i32
    %c0_i32_1 = arith.constant 0 : i32
    return %arg0, %arg1, %c0_i32, %c0_i32_0 : i32, i32, i32, i32
  }
  func.func @transform_6(%arg0: i32, %arg1: i32) -> (i32, i32, i32) {
    %c0_i32 = arith.constant 0 : i32
    %c0_i32_0 = arith.constant 0 : i32
    %c0_i32_1 = arith.constant 0 : i32
    return %arg0, %c0_i32, %c0_i32_0 : i32, i32, i32
  }
  func.func @transform_7(%arg0: i32, %arg1: i32) -> (i32, i32, i32, i32) {
    %c0_i32 = arith.constant 0 : i32
    %c0_i32_0 = arith.constant 0 : i32
    %c0_i32_1 = arith.constant 0 : i32
    return %arg0, %arg1, %c0_i32, %c0_i32_0 : i32, i32, i32, i32
  }
  func.func @transform_8(%arg0: i32, %arg1: i32) -> (i32, i32, i32, i32) {
    %c0_i32 = arith.constant 0 : i32
    %c0_i32_0 = arith.constant 0 : i32
    %c0_i32_1 = arith.constant 0 : i32
    return %arg0, %arg1, %c0_i32, %c0_i32_0 : i32, i32, i32, i32
  }
}

</mosaic_0001>

<sc_bundles>
// kernel: kernel.5.cloned.1.call-start
scs
__scs_entry_jumppad:
0x0: {  	(pc) =	sbr.rel $0x88, $3  }
0x1: {  	(tag) =	ssettag $0x0;
	lr =	simm.s32 $0x1  }
0x2: {  	[smem:$0x3FA0] =	sst lr;
	_ =	strace $0xD0000000  }
0x3: {  	_ = 	snop  }
0x4: {  	_ = 	snop  }
0x5: {  	_ = 	snop  }
0x6: {  	_ = 	snop  }
0x7: {  	_ = 	snop  }
__scs_overlays_trampoline_lowered:
0x8: {  	[smem:$0x3FAF] =	sst s0  }
0x9: {  	[smem:$0x3FB0] =	sst s1  }
0xa: {  	[smem:$0x3FB1] =	sst s2  }
0xb: {  	[smem:$0x3FB2] =	sst s3  }
0xc: {  	[smem:$0x3FB3] =	sst s4  }
0xd: {  	[smem:$0x3FB4] =	sst s5  }
0xe: {  	[smem:$0x3FB5] =	sst s6  }
0xf: {  	[smem:$0x3FB6] =	sst s7  }
0x10: {  	[smem:$0x3FB7] =	sst s8  }
0x11: {  	[smem:$0x3FB8] =	sst s9;
	s0 =	simm.s32 @!p0 $0x0  }
0x12: {  	s1 =	sld [smem:$0x3F9E];
	s0 =	simm.s32 @p0 $0x1  }
0x13: {  	[smem:$0x3FB9] =	sst s0;
	s0 =	simm.s32 @!p1 $0x0  }
0x14: {  	s2 =	sld [smem:$0x3F9D];
	s0 =	simm.s32 @p1 $0x1  }
0x15: {  	[smem:$0x3FBA] =	sst s0;
	s0 =	simm.s32 @!p2 $0x0  }
0x16: {  	s3 =	sld [smem:$0x3FDB];
	s0 =	simm.s32 @p2 $0x1  }
0x17: {  	s4 =	simm.s32 $0x1BF5;
	[smem:$0x3FBC] =	sst s0  }
0x18: {  	s0 =	sld [smem:$0x3F9F];
	_ =	swait.ge [sflag:s4], $0x0  }
0x19: {  	s7 =	sld [smem:$0x3FA0]  }
0x1a: {  	s8 =	sadd.s32 $0xFFFFE003, lr  }
0x1b: {  	s9 =	sadd.s32 $0xFFFFFEF7, lr;
	s5 =	simm.s32 $0xFFFFFFFF;
	p2 =	slt.u32 s8, $0xFFFFF086  }
0x1c: {  	p1 =	slt.u32 s9, $0xF7A;
	s5 =	simm.s32 @!p2 $0x0  }
0x1d: {  	s5 =	simm.s32 @p1 $0x1;
	p0 =	seq.s32 s7, s2  }
0x1e: {  	s7 =	smul.u32 @!p0 $0xF7A, s2;
	p2 =	seq.s32 @!p0 s5, $0x0  }
0x1f: {  	s9 =	smul.u32 $0xF7A, s1;
	s8 =	simm.s32 @!p0 $0x1BF5;
	p2 =	por !p2, p0  }
0x20: {  	[sflag:s8] =	ssyncset.s32 @!p0 $0xFFFFF086;
	s6 =	sadd.s32 @!p0 s3, s7;
	s7 =	simm.s32 @!p0 $0x108  }
0x21: {  	s3 =	sadd.s32 s3, s9;
	s6 =	sadd.s32 @!p0 $0x88, s6;
	s7 =	simm.s32 @p2 $0x1082  }
0x22: {  	[simem:s7], [sflag:s8] =	dma.local @!p0 [hbm:s6], $0xF7A  }
0x23: {  	s9 =	sor.u32 $0xD0000000, s2;
	s6 =	simm.s32 $0x108;
	_ =	swait.ge @!p0 [sflag:s8], $0x0  }
0x24: {  	s3 =	sadd.s32 $0x88, s3;
	s6 =	simm.s32 @!p1 $0x1082;
	[sflag:s4] =	ssyncset.s32 $0xFFFFF086  }
0x25: {  	[simem:s6], [sflag:s4] =	dma.local [hbm:s3], $0xF7A  }
0x26: {  	[smem:$0x3FA0] =	sst s1;
	(tag) =	ssettag s2;
	_ =	strace s9  }
0x27: {  	s1 =	sld [smem:$0x3FB0]  }
0x28: {  	s2 =	sld [smem:$0x3FB1]  }
0x29: {  	s4 =	sld [smem:$0x3FB3]  }
0x2a: {  	p0 =	seq.s32 s5, $0x0;
	s5 =	sld [smem:$0x3FB4]  }
0x2b: {  	s6 =	sld [smem:$0x3FB5]  }
0x2c: {  	s7 =	sld [smem:$0x3FB6]  }
0x2d: {  	s3 =	simm.s32 $0x108;
	s8 =	sld [smem:$0x3FB7]  }
0x2e: {  	s3 =	simm.s32 @!p0 $0x1082;
	s9 =	sld [smem:$0x3FB8]  }
0x2f: {  	lr =	sadd.s32 s0, s3;
	s0 =	sld [smem:$0x3FAF]  }
0x30: {  	s3 =	sld [smem:$0x3FB2]  }
0x31: {  	[smem:$0x3FBB] =	sst s10  }
0x32: {  	s10 =	sld [smem:$0x3FB9];
	_ =	sdelay $0x3  }
0x33: {  	p0 =	seq.s32 s10, $0x1;
	s10 =	sld [smem:$0x3FBB];
	_ =	sdelay $0x3  }
0x34: {  	[smem:$0x3FBB] =	sst s10  }
0x35: {  	s10 =	sld [smem:$0x3FBA];
	_ =	sdelay $0x3  }
0x36: {  	p1 =	seq.s32 s10, $0x1;
	s10 =	sld [smem:$0x3FBB];
	_ =	sdelay $0x3  }
0x37: {  	[smem:$0x3FBB] =	sst s10  }
0x38: {  	s10 =	sld [smem:$0x3FBC]  }
0x39: {  	_ = 	snop;
	(pc) =	sbr.ind lr, $3  }
0x3a: {  	_ = 	snop  }
0x3b: {  	_ = 	snop  }
0x3c: {  	p2 =	seq.s32 s10, $0x1;
	s10 =	sld [smem:$0x3FBB]  }
0x3d: {  	_ =	shalt  }
0x3e: {  	_ =	shalt  }
0x3f: {  	_ =	shalt  }
0x40: {  	_ =	shalt  }
0x41: {  	_ =	shalt  }
0x42: {  	_ =	shalt  }
0x43: {  	_ =	shalt  }
0x44: {  	_ =	shalt  }
0x45: {  	_ =	shalt  }
0x46: {  	_ =	shalt  }
0x47: {  	_ =	shalt  }
0x48: {  	_ =	shalt  }
0x49: {  	_ =	shalt  }
0x4a: {  	_ =	shalt  }
0x4b: {  	_ =	shalt  }
0x4c: {  	_ =	shalt  }
0x4d: {  	_ =	shalt  }
0x4e: {  	_ =	shalt  }
0x4f: {  	_ =	shalt  }
0x50: {  	_ =	shalt  }
0x51: {  	_ =	shalt  }
0x52: {  	_ =	shalt  }
0x53: {  	_ =	shalt  }
0x54: {  	_ =	shalt  }
0x55: {  	_ =	shalt  }
0x56: {  	_ =	shalt  }
0x57: {  	_ =	shalt  }
0x58: {  	_ =	shalt  }
0x59: {  	_ =	shalt  }
0x5a: {  	_ =	shalt  }
0x5b: {  	_ =	shalt  }
0x5c: {  	_ =	shalt  }
0x5d: {  	_ =	shalt  }
0x5e: {  	_ =	shalt  }
0x5f: {  	_ =	shalt  }
0x60: {  	_ =	shalt  }
0x61: {  	_ =	shalt  }
0x62: {  	_ =	shalt  }
0x63: {  	_ =	shalt  }
0x64: {  	_ =	shalt  }
0x65: {  	_ =	shalt  }
0x66: {  	_ =	shalt  }
0x67: {  	_ =	shalt  }
0x68: {  	_ =	shalt  }
0x69: {  	_ =	shalt  }
0x6a: {  	_ =	shalt  }
0x6b: {  	_ =	shalt  }
0x6c: {  	_ =	shalt  }
0x6d: {  	_ =	shalt  }
0x6e: {  	_ =	shalt  }
0x6f: {  	_ =	shalt  }
0x70: {  	_ =	shalt  }
0x71: {  	_ =	shalt  }
0x72: {  	_ =	shalt  }
0x73: {  	_ =	shalt  }
0x74: {  	_ =	shalt  }
0x75: {  	_ =	shalt  }
0x76: {  	_ =	shalt  }
0x77: {  	_ =	shalt  }
0x78: {  	_ =	shalt  }
0x79: {  	_ =	shalt  }
0x7a: {  	_ =	shalt  }
0x7b: {  	_ =	shalt  }
0x7c: {  	_ =	shalt  }
0x7d: {  	_ =	shalt  }
0x7e: {  	_ =	shalt  }
0x7f: {  	_ =	shalt  }
0x80: {  	_ =	shalt  }
0x81: {  	_ =	shalt  }
0x82: {  	_ =	shalt  }
0x83: {  	_ =	shalt  }
0x84: {  	_ =	shalt  }
0x85: {  	_ =	shalt  }
0x86: {  	_ =	shalt  }
0x87: {  	_ =	shalt  }
.Lfunc_end0:
.L_simem_size_0:
called_computation_lowered:
.L_overlay_start_0:
0x88: {  	s2 =	sld [smem:$0x3FD9]  }
0x89: {  	s3 =	sld [smem:$0x3FFE];
	_ =	sdelay $0x1  }
0x8a: {  	s1 =	srdreg.scid  }
0x8b: {  	s0 =	sand.u32 $0x1, s1  }
0x8c: {  	s14 =	sshll.u32 s0, $0xA;
	s2 =	sadd.s32 s3, s2  }
0x8d: {  	s2 =	sadd.s32 s2, s14  }
0x8e: {  	[smem:$0x3FC7] =	sst s2  }
0x8f: {  	_ = 	snop  }
0x90: {  	s2 =	sld [smem:$0x3FD0];
	_ =	sdelay $0x2  }
0x91: {  	s15 =	simm.s32 $0xA;
	s4 =	simm.s32 $0x10  }
0x92: {  	[smem:s4], [sflag:s15] =	dma.local [hbm:s2], $0x1  }
0x93: {  	_ =	swait.eq [sflag:s15], $0x1  }
0x94: {  	[sflag:s15] =	ssyncset.done $0x0  }
0x95: {  	[sflag:s15] =	ssyncadd.s32 $0xFFFFFFFF  }
0x96: {  	s16 =	sld [smem:$0x10];
	(tm) =	ssettm $0x1  }
0x97: {  	s17 =	sld [smem:$0x3FFB];
	_ =	sdelay $0x3  }
0x98: {  	_ =	strace s17  }
0x99: {  	s3 =	sld [smem:$0x3FFC];
	_ =	sdelay $0x3  }
0x9a: {  	_ =	strace s3  }
0x9b: {  	s3 =	sld [smem:$0x3FFD];
	_ =	sdelay $0x3  }
0x9c: {  	_ =	strace s3  }
0x9d: {  	_ =	strace $0x8FFFFFFF  }
0x9e: {  	s18 =	sld [smem:$0x3FDB];
	_ =	sdelay $0x1  }
0x9f: {  	s19 =	simm.s32 $_scs_section_size  }
0xa0: {  	s5 =	simm.s32 $_size__tile_overlayer_lowered;
	s6 =	simm.s32 $_tile_overlayer_lowered  }
0xa1: {  	s22 =	simm.s32 $0x1BFF;
	s21 =	sshll.u32 s6, $0x1;
	s3 =	sadd.s32 s19, s18  }
0xa2: {  	s7 =	simm.s32 $0x0;
	s20 =	sshll.u32 s5, $0x1;
	s5 =	sadd.s32 s21, s3  }
0xa3: {  	[timem:s7], [sflag:s22] =	dma.local [hbm:s5], s20  }
0xa4: {  	_ =	swait.ge [sflag:s22], s20  }
0xa5: {  	s4 =	ssub.s32 $0x0, s20;
	[sflag:s22] =	ssyncset.done $0x0  }
0xa6: {  	[sflag:s22] =	ssyncadd.s32 s4;
	_ =	sdelay $0x1  }
0xa7: {  	s23 =	simm.s32 $0x1B8B  }
0xa8: {  	_ =	swait.ge [sflag:s23], $0x1  }
0xa9: {  	[sflag:s23] =	ssyncset.done $0x0  }
0xaa: {  	s25 =	simm.s32 $0x1B8E;
	s24 =	sld [smem:$0x3FFE];
	[sflag:s23] =	ssyncadd.s32 $0xFFFFFFFF  }
0xab: {  	s26 =	simm.s32 $execute0_lowered;
	[smem:$0x3FD2] =	sst s25  }
0xac: {  	s5 =	sshll.u32 s26, $0x1;
	_ =	strace $0x80000046;
	[dreg:$0x1] =	wrdreg $0xFFFFFFFF  }
0xad: {  	s28 =	simm.s32 $_size_execute0_lowered;
	s3 =	sadd.s32 s3, s5;
	[dreg:$0x0] =	wrdreg $0x0  }
0xae: {  	s5 =	sshll.u32 s28, $0x1;
	[dreg:$0x2] =	wrdreg s3  }
0xaf: {  	[dreg:$0x3] =	wrdreg s5  }
0xb0: {  	[dreg:$0x4] =	wrdreg $0xC0  }
0xb1: {  	_ =	task [dreg:s7], $0x5FFFF  }
0xb2: {  	[dreg:$0x1] =	wrdreg $0xFFFFFFFF  }
0xb3: {  	[dreg:$0x0] =	wrdreg $0x60  }
0xb4: {  	[dreg:$0x2] =	wrdreg s24  }
0xb5: {  	[dreg:$0x3] =	wrdreg s16  }
0xb6: {  	[dreg:$0x4] =	wrdreg $0x9  }
0xb7: {  	_ =	task.clear_ibuf [dreg:s7], $0x5FFFF;
	_ =	strace $0x90000046  }
0xb8: {  	s29 =	simm.s32 $0x9;
	_ =	strace $0x80000048  }
0xb9: {  	_ =	swait.ge [sflag:s29], $0x1  }
0xba: {  	[sflag:s29] =	ssyncadd.s32 $0xFFFFFFFF  }
0xbb: {  	_ =	strace $0x90000048  }
0xbc: {  	_ =	sfence  }
0xbd: {  	s30 =	sld [smem:$0x0];
	_ =	sdelay $0x2  }
0xbe: {  	s31 =	sshll.u32 s1, $0xD;
	s1 =	sshrl.u32 s1, $0x2  }
0xbf: {  	s3 =	sand.u32 $0x4000, s31;
	s1 =	sadd.s32 s1, s30  }
0xc0: {  	s0 =	sor.u32 s3, s0;
	s1 =	sshll.u32 s1, $0x11  }
0xc1: {  	s0 =	sor.u32 s1, s0  }
0xc2: {  	s0 =	sadd.s32 $0x8F2B, s0  }
0xc3: {  	[sflag:s0] =	ssyncadd.remote.s32 $0x1  }
0xc4: {  	_ =	sfence.sel $0xFFFF  }
0xc5: {  	[dreg:$0x0] =	wrdreg $0xFFFFFFFF;
	(pc) =	sbr.abs _section_cstart, $3  }
0xc6: {  	[dreg:$0x1] =	wrdreg $0xFFFFFFFF  }
0xc7: {  	_ =	task.clear_ibuf [dreg:s7], $0x2FFFF;
	_ =	strace $0x9FFFFFFF  }
0xc8: {  	(tm) =	ssettm $0x7FFFFFFF  }
0xc9: {  	_ =	shalt  }
tec
execute0_lowered:
.L_overlay_start_1:
0x0: {  	(tag) =	ssettag $0x1  }
0x1: {  	s5 =	rddreg [dreg:$0x0]  }
0x2: {  	s14 =	rddreg [dreg:$0x1]  }
0x3: {  	s0 =	rddreg [dreg:$0x2];
	s1 =	simm.s32 $0x0;
	s6 =	srdreg.scid  }
0x4: {  	s2 =	stileid.u32;
	s20 =	simm.s32 $0x1000;
	s21 =	simm.s32 $0x9000  }
0x5: {  	s22 =	simm.s32 $0x1;
	s23 =	simm.s32 $0x2;
	s24 =	simm.s32 $0x0  }
0x6: {  	[smem:$0x7FF] =	sst s1;
	s3 =	sadd.s32 $0x8400, s5;
	s4 =	sadd.s32 $0x208400, s5  }
0x7: {  	s6 =	sand.u32 $0x1, s6;
	s8 =	sshll.u32 s2, $0xE;
	s15 =	sadd.s32 $0x400, s5  }
0x8: {  	s16 =	sadd.s32 $0x48400, s5;
	s7 =	ssub.s32 $0x2, s6;
	s6 =	sshll.u32 s6, $0xD  }
0x9: {  	_ =	strace $0x80000047;
	s9 =	sshrl.u32 s7, $0x1;
	s12 =	sor.u32 s6, s8  }
0xa: {  	s17 =	ssub.s32 s7, s9;
	s6 =	sshrl.u32 s12, $0x3;
	s28 =	sshll.u32 s12, $0x1  }
0xb: {  	s29 =	sor.u32 $0x800, s12;
	s13 =	sor.u32 $0x1000, s12;
	s19 =	sor.u32 $0x1800, s12  }
0xc: {  	s5 =	sadd.s32 s14, s6;
	s6 =	sadd.s32 s15, s6;
	s7 =	sadd.s32 s16, s28  }
0xd: {  	s10 =	sshrl.u32 s29, $0x3;
	s11 =	sshll.u32 s29, $0x1;
	s18 =	sshrl.u32 s13, $0x3  }
0xe: {  	s13 =	sshll.u32 s13, $0x1;
	s30 =	sshrl.u32 s19, $0x3;
	s31 =	sshll.u32 s19, $0x1  }
0xf: {  	s17 =	smax.u32 s17, $0x1;
	s19 =	simm.s32 $0x800;
	s8 =	sadd.s32 s14, s10  }
0x10: {  	s9 =	sadd.s32 s15, s10;
	s10 =	sadd.s32 s16, s11;
	s11 =	sadd.s32 s14, s18  }
0x11: {  	s12 =	sadd.s32 s15, s18;
	s13 =	sadd.s32 s16, s13;
	s14 =	sadd.s32 s14, s30  }
0x12: {  	s15 =	sadd.s32 s15, s30;
	s16 =	sadd.s32 s16, s31;
	s18 =	simm.s32 $0x3  }
.LBB2_1:
0x13: {  	[tilespmem:s1], [sflag:$0x3] =	stream.linear.gather [hbm4b:s5+s1], $0x800, $0x38;
	[tilespmem:$0x11000] =	vst v63  }
0x14: {  	_ =	swait.ge [sflag:s18], $0x800  }
0x15: {  	[sflag:s18] =	ssyncset.done $0x0  }
0x16: {  	[sflag:s18] =	ssyncadd.s32 $0xFFFFF800  }
0x17: {  	[tilespmem:s19], [sflag:$0x3] =	stream.linear.gather [hbm4b:s6+s1], $0x800, $0x38;
	[tilespmem:$0x11000] =	vst v63  }
0x18: {  	_ =	swait.ge [sflag:s18], $0x800  }
0x19: {  	[sflag:s18] =	ssyncset.done $0x0  }
0x1a: {  	[sflag:s18] =	ssyncadd.s32 $0xFFFFF800  }
0x1b: {  	[tilespmem:s20], [sflag:$0x1] =	stream.indirect.gather [hbm4b:s3+s19], $0x10, s1, s19, $0xb8;
	[tilespmem:$0x11000] =	vst v63  }
0x1c: {  	_ = 	snop  }
0x1d: {  	[tilespmem:s21], [sflag:$0x2] =	stream.indirect.gather [hbm4b:s4+s19], $0x10, s19, s19, $0xb8;
	[tilespmem:$0x11000] =	vst v63  }
0x1e: {  	_ =	swait.ge [sflag:s22], $0x8000  }
0x1f: {  	[sflag:s22] =	ssyncset.done $0x0  }
0x20: {  	[sflag:s22] =	ssyncadd.s32 $0xFFFF8000  }
0x21: {  	_ =	swait.ge [sflag:s23], $0x8000  }
0x22: {  	[sflag:s23] =	ssyncset.done $0x0  }
0x23: {  	s25 =	simm.s32 $0x0;
	[sflag:s23] =	ssyncadd.s32 $0xFFFF8000  }
0x24: {  	v5 =	vld [tilespmem:s25+$0x9000]  }
0x25: {  	v6 =	vld [tilespmem:s25+$0x9010]  }
0x26: {  	v1 =	vld [tilespmem:s25+$0x9020]  }
0x27: {  	v0 =	vld [tilespmem:s25+$0x9030]  }
0x28: {  	v2 =	vld [tilespmem:s25+$0x1000]  }
0x29: {  	v4 =	vld [tilespmem:s25+$0x1010]  }
0x2a: {  	s26 =	simm.s32 $0x100;
	v3 =	vld [tilespmem:s25+$0x1020]  }
.LBB2_2:
0x2b: {  	s28 =	sshra.s32 s26, $0x2;
	p0 =	sne.s32 s26, $0x1FF00;
	v7 =	vld [tilespmem:s25+$0x1030];
	v8 =	vmov v1  }
0x2c: {  	v9 =	vld [tilespmem:s28+$0x9000];
	v10 =	vmov v0  }
0x2d: {  	v11 =	vld [tilespmem:s28+$0x9010];
	v2 =	vsub.f32 v2, v5  }
.Ltmp0:
0x2e: {  	v1 =	vld [tilespmem:s28+$0x9020];
	v4 =	vsub.f32 v4, v6;
	(pc) =	sbr.rel @p0 .LBB2_2-.Ltmp0, $4  }
0x2f: {  	v0 =	vld [tilespmem:s28+$0x9030];
	[tilespmem:s25+$0x1000] =	vst v2;
	v3 =	vsub.f32 v3, v8  }
0x30: {  	v2 =	vld [tilespmem:s28+$0x1000];
	[tilespmem:s25+$0x1010] =	vst v4;
	v7 =	vsub.f32 v7, v10  }
0x31: {  	v4 =	vld [tilespmem:s28+$0x1010];
	[tilespmem:s25+$0x1020] =	vst v3;
	v5 =	vmov v9  }
0x32: {  	s26 =	sadd.s32 $0x100, s26;
	v3 =	vld [tilespmem:s28+$0x1020];
	[tilespmem:s25+$0x1030] =	vst v7;
	v6 =	vmov v11;
	s25 =	smov.u32 s28  }
0x33: {  	v7 =	vld [tilespmem:s25+$0x1030];
	_ =	sdelay $0x1  }
0x34: {  	v2 =	vsub.f32 v2, v5  }
0x35: {  	v4 =	vsub.f32 v4, v6  }
0x36: {  	[tilespmem:s25+$0x1000] =	vst v2;
	v1 =	vsub.f32 v3, v1  }
0x37: {  	[tilespmem:s25+$0x1010] =	vst v4;
	v0 =	vsub.f32 v7, v0  }
0x38: {  	[tilespmem:s25+$0x1020] =	vst v1  }
0x39: {  	s31 =	simm.s32 $0x0;
	[tilespmem:s25+$0x1030] =	vst v0  }
0x3a: {  	[hbm4b:s7+s31] =	stream.linear.scatter [tilespmem:s20], [sflag:$0x3], $0x8000, $0x38;
	[tilespmem:$0x11000] =	vst v63  }
0x3b: {  	_ =	swait.ge [sflag:s18], $0x8000  }
0x3c: {  	[sflag:s18] =	ssyncset.done $0x0  }
0x3d: {  	[sflag:s18] =	ssyncadd.s32 $0xFFFF8000  }
0x3e: {  	[tilespmem:s31], [sflag:$0x3] =	stream.linear.gather [hbm4b:s8+s31], $0x800, $0x38;
	[tilespmem:$0x11000] =	vst v63  }
0x3f: {  	_ =	swait.ge [sflag:s18], $0x800  }
0x40: {  	[sflag:s18] =	ssyncset.done $0x0  }
0x41: {  	[sflag:s18] =	ssyncadd.s32 $0xFFFFF800  }
0x42: {  	[tilespmem:s19], [sflag:$0x3] =	stream.linear.gather [hbm4b:s9+s31], $0x800, $0x38;
	[tilespmem:$0x11000] =	vst v63  }
0x43: {  	_ =	swait.ge [sflag:s18], $0x800  }
0x44: {  	[sflag:s18] =	ssyncset.done $0x0  }
0x45: {  	[sflag:s18] =	ssyncadd.s32 $0xFFFFF800  }
0x46: {  	[tilespmem:s20], [sflag:$0x1] =	stream.indirect.gather [hbm4b:s3+s19], $0x10, s31, s19, $0xb8;
	[tilespmem:$0x11000] =	vst v63  }
0x47: {  	_ = 	snop  }
0x48: {  	[tilespmem:s21], [sflag:$0x2] =	stream.indirect.gather [hbm4b:s4+s19], $0x10, s19, s19, $0xb8;
	[tilespmem:$0x11000] =	vst v63  }
0x49: {  	_ =	swait.ge [sflag:s22], $0x8000  }
0x4a: {  	[sflag:s22] =	ssyncset.done $0x0  }
0x4b: {  	[sflag:s22] =	ssyncadd.s32 $0xFFFF8000  }
0x4c: {  	_ =	swait.ge [sflag:s23], $0x8000  }
0x4d: {  	[sflag:s23] =	ssyncset.done $0x0  }
0x4e: {  	s25 =	simm.s32 $0x0;
	[sflag:s23] =	ssyncadd.s32 $0xFFFF8000  }
0x4f: {  	v5 =	vld [tilespmem:s25+$0x9000]  }
0x50: {  	v6 =	vld [tilespmem:s25+$0x9010]  }
0x51: {  	v1 =	vld [tilespmem:s25+$0x9020]  }
0x52: {  	v0 =	vld [tilespmem:s25+$0x9030]  }
0x53: {  	v2 =	vld [tilespmem:s25+$0x1000]  }
0x54: {  	v4 =	vld [tilespmem:s25+$0x1010]  }
0x55: {  	s26 =	simm.s32 $0x100;
	v3 =	vld [tilespmem:s25+$0x1020]  }
.LBB2_4:
0x56: {  	s28 =	sshra.s32 s26, $0x2;
	p0 =	sne.s32 s26, $0x1FF00;
	v7 =	vld [tilespmem:s25+$0x1030];
	v8 =	vmov v1  }
0x57: {  	v9 =	vld [tilespmem:s28+$0x9000];
	v10 =	vmov v0  }
0x58: {  	v11 =	vld [tilespmem:s28+$0x9010];
	v2 =	vsub.f32 v2, v5  }
.Ltmp1:
0x59: {  	v1 =	vld [tilespmem:s28+$0x9020];
	v4 =	vsub.f32 v4, v6;
	(pc) =	sbr.rel @p0 .LBB2_4-.Ltmp1, $4  }
0x5a: {  	v0 =	vld [tilespmem:s28+$0x9030];
	[tilespmem:s25+$0x1000] =	vst v2;
	v3 =	vsub.f32 v3, v8  }
0x5b: {  	v2 =	vld [tilespmem:s28+$0x1000];
	[tilespmem:s25+$0x1010] =	vst v4;
	v7 =	vsub.f32 v7, v10  }
0x5c: {  	v4 =	vld [tilespmem:s28+$0x1010];
	[tilespmem:s25+$0x1020] =	vst v3;
	v5 =	vmov v9  }
0x5d: {  	s26 =	sadd.s32 $0x100, s26;
	v3 =	vld [tilespmem:s28+$0x1020];
	[tilespmem:s25+$0x1030] =	vst v7;
	v6 =	vmov v11;
	s25 =	smov.u32 s28  }
0x5e: {  	v7 =	vld [tilespmem:s25+$0x1030];
	_ =	sdelay $0x1  }
0x5f: {  	v2 =	vsub.f32 v2, v5  }
0x60: {  	v4 =	vsub.f32 v4, v6  }
0x61: {  	[tilespmem:s25+$0x1000] =	vst v2;
	v1 =	vsub.f32 v3, v1  }
0x62: {  	[tilespmem:s25+$0x1010] =	vst v4;
	v0 =	vsub.f32 v7, v0  }
0x63: {  	[tilespmem:s25+$0x1020] =	vst v1  }
0x64: {  	s31 =	simm.s32 $0x0;
	[tilespmem:s25+$0x1030] =	vst v0  }
0x65: {  	[hbm4b:s10+s31] =	stream.linear.scatter [tilespmem:s20], [sflag:$0x3], $0x8000, $0x38;
	[tilespmem:$0x11000] =	vst v63  }
0x66: {  	_ =	swait.ge [sflag:s18], $0x8000  }
0x67: {  	[sflag:s18] =	ssyncset.done $0x0  }
0x68: {  	[sflag:s18] =	ssyncadd.s32 $0xFFFF8000  }
0x69: {  	[tilespmem:s31], [sflag:$0x3] =	stream.linear.gather [hbm4b:s11+s31], $0x800, $0x38;
	[tilespmem:$0x11000] =	vst v63  }
0x6a: {  	_ =	swait.ge [sflag:s18], $0x800  }
0x6b: {  	[sflag:s18] =	ssyncset.done $0x0  }
0x6c: {  	[sflag:s18] =	ssyncadd.s32 $0xFFFFF800  }
0x6d: {  	[tilespmem:s19], [sflag:$0x3] =	stream.linear.gather [hbm4b:s12+s31], $0x800, $0x38;
	[tilespmem:$0x11000] =	vst v63  }
0x6e: {  	_ =	swait.ge [sflag:s18], $0x800  }
0x6f: {  	[sflag:s18] =	ssyncset.done $0x0  }
0x70: {  	[sflag:s18] =	ssyncadd.s32 $0xFFFFF800  }
0x71: {  	[tilespmem:s20], [sflag:$0x1] =	stream.indirect.gather [hbm4b:s3+s19], $0x10, s31, s19, $0xb8;
	[tilespmem:$0x11000] =	vst v63  }
0x72: {  	_ = 	snop  }
0x73: {  	[tilespmem:s21], [sflag:$0x2] =	stream.indirect.gather [hbm4b:s4+s19], $0x10, s19, s19, $0xb8;
	[tilespmem:$0x11000] =	vst v63  }
0x74: {  	_ =	swait.ge [sflag:s22], $0x8000  }
0x75: {  	[sflag:s22] =	ssyncset.done $0x0  }
0x76: {  	[sflag:s22] =	ssyncadd.s32 $0xFFFF8000  }
0x77: {  	_ =	swait.ge [sflag:s23], $0x8000  }
0x78: {  	[sflag:s23] =	ssyncset.done $0x0  }
0x79: {  	s25 =	simm.s32 $0x0;
	[sflag:s23] =	ssyncadd.s32 $0xFFFF8000  }
0x7a: {  	v5 =	vld [tilespmem:s25+$0x9000]  }
0x7b: {  	v6 =	vld [tilespmem:s25+$0x9010]  }
0x7c: {  	v1 =	vld [tilespmem:s25+$0x9020]  }
0x7d: {  	v0 =	vld [tilespmem:s25+$0x9030]  }
0x7e: {  	v2 =	vld [tilespmem:s25+$0x1000]  }
0x7f: {  	v4 =	vld [tilespmem:s25+$0x1010]  }
0x80: {  	s26 =	simm.s32 $0x100;
	v3 =	vld [tilespmem:s25+$0x1020]  }
.LBB2_6:
0x81: {  	s28 =	sshra.s32 s26, $0x2;
	p0 =	sne.s32 s26, $0x1FF00;
	v7 =	vld [tilespmem:s25+$0x1030];
	v8 =	vmov v1  }
0x82: {  	v9 =	vld [tilespmem:s28+$0x9000];
	v10 =	vmov v0  }
0x83: {  	v11 =	vld [tilespmem:s28+$0x9010];
	v2 =	vsub.f32 v2, v5  }
.Ltmp2:
0x84: {  	v1 =	vld [tilespmem:s28+$0x9020];
	v4 =	vsub.f32 v4, v6;
	(pc) =	sbr.rel @p0 .LBB2_6-.Ltmp2, $4  }
0x85: {  	v0 =	vld [tilespmem:s28+$0x9030];
	[tilespmem:s25+$0x1000] =	vst v2;
	v3 =	vsub.f32 v3, v8  }
0x86: {  	v2 =	vld [tilespmem:s28+$0x1000];
	[tilespmem:s25+$0x1010] =	vst v4;
	v7 =	vsub.f32 v7, v10  }
0x87: {  	v4 =	vld [tilespmem:s28+$0x1010];
	[tilespmem:s25+$0x1020] =	vst v3;
	v5 =	vmov v9  }
0x88: {  	s26 =	sadd.s32 $0x100, s26;
	v3 =	vld [tilespmem:s28+$0x1020];
	[tilespmem:s25+$0x1030] =	vst v7;
	v6 =	vmov v11;
	s25 =	smov.u32 s28  }
0x89: {  	v7 =	vld [tilespmem:s25+$0x1030];
	_ =	sdelay $0x1  }
0x8a: {  	v2 =	vsub.f32 v2, v5  }
0x8b: {  	v4 =	vsub.f32 v4, v6  }
0x8c: {  	[tilespmem:s25+$0x1000] =	vst v2;
	v1 =	vsub.f32 v3, v1  }
0x8d: {  	[tilespmem:s25+$0x1010] =	vst v4;
	v0 =	vsub.f32 v7, v0  }
0x8e: {  	[tilespmem:s25+$0x1020] =	vst v1  }
0x8f: {  	s31 =	simm.s32 $0x0;
	[tilespmem:s25+$0x1030] =	vst v0  }
0x90: {  	[hbm4b:s13+s31] =	stream.linear.scatter [tilespmem:s20], [sflag:$0x3], $0x8000, $0x38;
	[tilespmem:$0x11000] =	vst v63  }
0x91: {  	_ =	swait.ge [sflag:s18], $0x8000  }
0x92: {  	[sflag:s18] =	ssyncset.done $0x0  }
0x93: {  	[sflag:s18] =	ssyncadd.s32 $0xFFFF8000  }
0x94: {  	[tilespmem:s31], [sflag:$0x3] =	stream.linear.gather [hbm4b:s14+s31], $0x800, $0x38;
	[tilespmem:$0x11000] =	vst v63  }
0x95: {  	_ =	swait.ge [sflag:s18], $0x800  }
0x96: {  	[sflag:s18] =	ssyncset.done $0x0  }
0x97: {  	[sflag:s18] =	ssyncadd.s32 $0xFFFFF800  }
0x98: {  	[tilespmem:s19], [sflag:$0x3] =	stream.linear.gather [hbm4b:s15+s31], $0x800, $0x38;
	[tilespmem:$0x11000] =	vst v63  }
0x99: {  	_ =	swait.ge [sflag:s18], $0x800  }
0x9a: {  	[sflag:s18] =	ssyncset.done $0x0  }
0x9b: {  	[sflag:s18] =	ssyncadd.s32 $0xFFFFF800  }
0x9c: {  	[tilespmem:s20], [sflag:$0x1] =	stream.indirect.gather [hbm4b:s3+s19], $0x10, s31, s19, $0xb8;
	[tilespmem:$0x11000] =	vst v63  }
0x9d: {  	_ = 	snop  }
0x9e: {  	[tilespmem:s21], [sflag:$0x2] =	stream.indirect.gather [hbm4b:s4+s19], $0x10, s19, s19, $0xb8;
	[tilespmem:$0x11000] =	vst v63  }
0x9f: {  	_ =	swait.ge [sflag:s22], $0x8000  }
0xa0: {  	[sflag:s22] =	ssyncset.done $0x0  }
0xa1: {  	[sflag:s22] =	ssyncadd.s32 $0xFFFF8000  }
0xa2: {  	_ =	swait.ge [sflag:s23], $0x8000  }
0xa3: {  	[sflag:s23] =	ssyncset.done $0x0  }
0xa4: {  	s25 =	simm.s32 $0x0;
	[sflag:s23] =	ssyncadd.s32 $0xFFFF8000  }
0xa5: {  	v5 =	vld [tilespmem:s25+$0x9000]  }
0xa6: {  	v6 =	vld [tilespmem:s25+$0x9010]  }
0xa7: {  	v1 =	vld [tilespmem:s25+$0x9020]  }
0xa8: {  	v0 =	vld [tilespmem:s25+$0x9030]  }
0xa9: {  	v2 =	vld [tilespmem:s25+$0x1000]  }
0xaa: {  	v4 =	vld [tilespmem:s25+$0x1010]  }
0xab: {  	s26 =	simm.s32 $0x100;
	v3 =	vld [tilespmem:s25+$0x1020]  }
.LBB2_8:
0xac: {  	s28 =	sshra.s32 s26, $0x2;
	p0 =	sne.s32 s26, $0x1FF00;
	v7 =	vld [tilespmem:s25+$0x1030];
	v8 =	vmov v1  }
0xad: {  	v9 =	vld [tilespmem:s28+$0x9000];
	v10 =	vmov v0  }
0xae: {  	v11 =	vld [tilespmem:s28+$0x9010];
	v2 =	vsub.f32 v2, v5  }
.Ltmp3:
0xaf: {  	v1 =	vld [tilespmem:s28+$0x9020];
	v4 =	vsub.f32 v4, v6;
	(pc) =	sbr.rel @p0 .LBB2_8-.Ltmp3, $4  }
0xb0: {  	v0 =	vld [tilespmem:s28+$0x9030];
	[tilespmem:s25+$0x1000] =	vst v2;
	v3 =	vsub.f32 v3, v8  }
0xb1: {  	v2 =	vld [tilespmem:s28+$0x1000];
	[tilespmem:s25+$0x1010] =	vst v4;
	v7 =	vsub.f32 v7, v10  }
0xb2: {  	v4 =	vld [tilespmem:s28+$0x1010];
	[tilespmem:s25+$0x1020] =	vst v3;
	v5 =	vmov v9  }
0xb3: {  	s26 =	sadd.s32 $0x100, s26;
	v3 =	vld [tilespmem:s28+$0x1020];
	[tilespmem:s25+$0x1030] =	vst v7;
	v6 =	vmov v11;
	s25 =	smov.u32 s28  }
0xb4: {  	v7 =	vld [tilespmem:s25+$0x1030];
	_ =	sdelay $0x1  }
0xb5: {  	v2 =	vsub.f32 v2, v5  }
0xb6: {  	v4 =	vsub.f32 v4, v6  }
0xb7: {  	[tilespmem:s25+$0x1000] =	vst v2;
	v1 =	vsub.f32 v3, v1  }
0xb8: {  	s24 =	sadd.s32 $0x1, s24;
	[tilespmem:s25+$0x1010] =	vst v4;
	v0 =	vsub.f32 v7, v0  }
0xb9: {  	p0 =	sne.s32 s24, s17;
	[tilespmem:s25+$0x1020] =	vst v1  }
.Ltmp4:
0xba: {  	[tilespmem:s25+$0x1030] =	vst v0;
	(pc) =	sbr.rel @p0 .LBB2_1-.Ltmp4, $4  }
0xbb: {  	[hbm4b:s16+s1] =	stream.linear.scatter [tilespmem:s20], [sflag:$0x3], $0x8000, $0x38;
	[tilespmem:$0x11000] =	vst v63  }
0xbc: {  	_ =	swait.ge [sflag:s18], $0x8000  }
0xbd: {  	[sflag:s18] =	ssyncset.done $0x0  }
0xbe: {  	[sflag:s18] =	ssyncadd.s32 $0xFFFF8000  }
0xbf: {  	_ =	sfence.sel $0x180000  }
0xc0: {  	[bflag:$0x0] =	sbarrier.arrive $0xFFFF  }
0xc1: {  	p0 =	sne.s32 s2, $0x0;
	_ =	strace $0x90000047  }
0xc2: {  	s0 =	sadd.s32 @!p0 $0x100000, s0;
	[bflag:$0x2] =	sbarrier.arrive $0xFFFF  }
0xc3: {  	[sflag:s0] =	ssyncadd.tile.s32 @!p0 $0x1;
	_ =	shalt  }
.Lfunc_end2:
_tile_overlayer_lowered:
.L_overlay_start_2:
0xc4: {  	(tag) =	ssettag $0x2  }
0xc5: {  	s0 =	rddreg [dreg:$0x0];
	s2 =	stileid.u32  }
0xc6: {  	s1 =	rddreg [dreg:$0x1];
	p0 =	sne.s32 s2, $0x0  }
0xc7: {  	s3 =	rddreg [dreg:$0x2];
	[bflag:$0x3] =	sbarrier.arrive $0xFFFF;
	s2 =	simm.s32 @!p0 $0x1C03  }
0xc8: {  	[timem:s3], [sflag:s2] =	dma.local @!p0 [hbm:s0], s1  }
0xc9: {  	s0 =	simm.s32 @!p0 $0x3  }
0xca: {  	_ =	swait.ge @!p0 [sflag:s0], s1  }
0xcb: {  	s1 =	ssub.s32 @!p0 $0x0, s1;
	[sflag:s0] =	ssyncset.done @!p0 $0x0  }
0xcc: {  	[sflag:s0] =	ssyncadd.s32 @!p0 s1  }
0xcd: {  	[bflag:$0x3] =	sbarrier.arrive $0xFFFF  }
0xce: {  	_ =	shalt  }

</sc_bundles>
